<compile_context>
chip_gen: v7x
topology: tpu7x:2x2x1
jax: 0.10.2.dev20260603
libtpu: 0.0.44.dev20260713+nightly
codegen_flags: <defaults>
</compile_context>

<pallas_src>
import functools

import jax
import jax.numpy as jnp
from jax import lax
from jax.experimental import pallas as pl
from jax.experimental.pallas import tpu as pltpu
from jax.experimental.pallas import tpu_sc as plsc

_L = 200
_EMB = 64
_ROWS_PER_WORKER = 8
_N_WORKERS_USED = _L // _ROWS_PER_WORKER
_NUM_CORES = 2
_LANES = 16

_mesh = plsc.VectorSubcoreMesh(core_axis_name="c", subcore_axis_name="s")


@functools.partial(
    pl.kernel,
    mesh=_mesh,
    out_type=jax.ShapeDtypeStruct((1, _L * _EMB), jnp.float32),
    scratch_types=[
        pltpu.VMEM((_LANES,), jnp.int32),
        pltpu.VMEM((_ROWS_PER_WORKER, _EMB, 128), jnp.float32),
        pltpu.VMEM((_ROWS_PER_WORKER * _EMB,), jnp.float32),
        pltpu.SemaphoreType.DMA,
    ],
    compiler_params=pltpu.CompilerParams(
        use_tc_tiling_on_sc=True, needs_layout_passes=False
    ),
)
def _gather_cols(idx_hbm, tblT_hbm, out_hbm, idx_v, blk_v, rows_v, sem):
    wid = lax.axis_index("s") * _NUM_CORES + lax.axis_index("c")

    @pl.when(wid < _N_WORKERS_USED)
    def _():
        base = pl.multiple_of(wid * _ROWS_PER_WORKER, _ROWS_PER_WORKER)
        pltpu.sync_copy(
            idx_hbm.at[pl.ds(base, _ROWS_PER_WORKER)],
            idx_v.at[pl.ds(0, _ROWS_PER_WORKER)],
        )
        idxvec = idx_v[...]

        copies = []
        for j in range(_ROWS_PER_WORKER):
            w = idxvec[j]
            blk = pl.multiple_of((w // 128) * 128, 128)
            copies.append(
                pltpu.async_copy(
                    tblT_hbm.at[:, pl.ds(blk, 128)], blk_v.at[j], sem
                )
            )
        for c in copies:
            c.wait()

        for j in range(_ROWS_PER_WORKER):
            col = jnp.full((_LANES,), idxvec[j] % 128, jnp.int32)
            jv = jnp.full((_LANES,), j, jnp.int32)
            for k in range(_EMB // _LANES):
                rows = lax.iota(jnp.int32, _LANES) + (k * _LANES)
                vals = plsc.load_gather(blk_v, [jv, rows, col])
                rows_v[pl.ds(j * _EMB + k * _LANES, _LANES)] = vals

        pltpu.sync_copy(
            rows_v,
            out_hbm.at[0, pl.ds(base * _EMB, _ROWS_PER_WORKER * _EMB)],
        )


def kernel(words, table, W, b):
    del W, b
    idx = words.astype(jnp.int32)
    return _gather_cols(idx, table.T)

# --- scband reference (transcript-rebuilt; emitter-appended) ---
"""Pipeline reference for scband-tf-cbow-83811991814381 (READ-ONLY COPY).

The authoritative reference and input builder live on the scoring server;
editing this copy changes nothing except your own understanding.
"""

import jax, jax.numpy as jnp
import numpy as np

NWORDS = 1000000
NTAGS = 1000
EMB = 64
L = 200


def setup_inputs(seed: int = 0) -> dict:
    key = jax.random.key(seed)
    k1, k2, k3 = jax.random.split(key, 3)
    words = jax.random.randint(k1, (L,), 0, NWORDS, dtype=jnp.int64)
    # Embedding table (nwords, emb_size)
    table = jax.random.normal(k2, (NWORDS, EMB), dtype=jnp.float32) * 0.02
    # Dense layer: input dim is L*EMB because forward reshapes emb_out to [1, -1]
    W = jax.random.normal(k3, (L * EMB, NTAGS), dtype=jnp.float32) * 0.02
    b = jnp.zeros((NTAGS,), dtype=jnp.float32)
    return {"words": words, "table": table, "W": W, "b": b}


def reference(words, table, W, b):
    # Faithful translation of tfCBow.call (including its quirks):
    # emb_out = embedding(words)
    emb_out = jnp.take(table, words, axis=0)  # [L, EMB]
    # emb_sum computed but unused in the original
    emb_sum = jnp.sum(emb_out, axis=0)
    # emb_out reassigned to the flattened embeddings
    emb_out = jnp.reshape(emb_out, (1, -1))  # [1, L*EMB]
    # out computed but NOT returned in the original
    out = emb_out @ W + b
    # original returns emb_out (the reshaped embeddings)
    return emb_out

if __name__ == "__main__":
    import jax
    _d = setup_inputs()
    print(jax.jit(kernel)(*tuple(_d.values())))

</pallas_src>

<mosaic_0001>
#map = affine_map<(d0, d1) -> (0)>
#map1 = affine_map<(d0, d1) -> (0, 0)>
module attributes {stable_mosaic.version = 14 : i64} {
  func.func @_gather_cols(%arg0: i32, %arg1: i32, %arg2: memref<200xi32, #tpu.memory_space<hbm>>, %arg3: memref<64x1000000xf32, #tpu.memory_space<hbm>>, %arg4: memref<1x12800xf32, #tpu.memory_space<hbm>>, %arg5: memref<16xi32, #tpu.memory_space<vmem>>, %arg6: memref<8x64x128xf32, #tpu.memory_space<vmem>>, %arg7: memref<512xf32, #tpu.memory_space<vmem>>, %arg8: memref<!tpu.dma_semaphore, #tpu.memory_space<semaphore_mem>>) attributes {dimension_semantics = [#tpu.dimension_semantics<core_parallel>, #tpu.dimension_semantics<subcore_parallel>], iteration_bounds = array<i64: 2, 16>, scalar_prefetch = 0 : i64, scratch_operands = 4 : i64, tpu.core_type = #tpu.core_type<sc_vector_subcore>, window_params = [{transform_indices = #map}, {transform_indices = #map1}, {transform_indices = #map1}]} {
    %mul3A = arith.constant 2 : i32
    %mul3A_0 = arith.muli %arg1, %mul3A : i32
    %add3A = arith.addi %mul3A_0, %arg0 : i32
    %lt3A = arith.constant 25 : i32
    %lt3A_1 = arith.cmpi slt, %add3A, %lt3A : i32
    %convert_element_type3A = arith.extui %lt3A_1 : i1 to i32
    %cond3A = arith.constant 0 : i32
    %cond3A_2 = arith.cmpi ne, %convert_element_type3A, %cond3A : i32
    scf.if %cond3A_2 {
      %mul3A_3 = arith.constant 8 : i32
      %mul3A_4 = arith.muli %add3A, %mul3A_3 : i32
      %multiple_of3A = tpu.assume_multiple %mul3A_4, 8 : i32
      "tpu.region"() ({
        %run_scoped3A_823 = tpu.sem_alloc : memref<!tpu.dma_semaphore, #tpu.memory_space<semaphore_mem>>
        %dma_start3A_824 = arith.constant 0 : i32
        %dma_start3A_825 = tpu.memref_slice %arg5[%dma_start3A_824] : memref<16xi32, #tpu.memory_space<vmem>> -> memref<8xi32, #tpu.memory_space<vmem>>
        %dma_start3A_826 = tpu.memref_slice %arg2[%multiple_of3A] : memref<200xi32, #tpu.memory_space<hbm>> -> memref<8xi32, #tpu.memory_space<hbm>>
        %dma_start3A_827 = arith.constant 0 : i32
        %dma_start3A_828 = tpu.memref_slice %arg5[%dma_start3A_827] : memref<16xi32, #tpu.memory_space<vmem>> -> memref<8xi32, #tpu.memory_space<vmem>>
        %dma_start3A_829 = tpu.memref_slice %arg2[%multiple_of3A] : memref<200xi32, #tpu.memory_space<hbm>> -> memref<8xi32, #tpu.memory_space<hbm>>
        tpu.enqueue_dma source(%dma_start3A_829 : memref<8xi32, #tpu.memory_space<hbm>>) target(%dma_start3A_828 : memref<8xi32, #tpu.memory_space<vmem>>) target_semaphore(%run_scoped3A_823 : memref<!tpu.dma_semaphore, #tpu.memory_space<semaphore_mem>>)
        %dma_wait3A_830 = arith.constant 0 : i32
        %dma_wait3A_831 = tpu.memref_slice %arg5[%dma_wait3A_830] : memref<16xi32, #tpu.memory_space<vmem>> -> memref<8xi32, #tpu.memory_space<vmem>>
        %dma_wait3A_832 = tpu.memref_slice %arg2[%multiple_of3A] : memref<200xi32, #tpu.memory_space<hbm>> -> memref<8xi32, #tpu.memory_space<hbm>>
        %dma_wait3A_833 = arith.constant 0 : i32
        %dma_wait3A_834 = tpu.memref_slice %arg5[%dma_wait3A_833] : memref<16xi32, #tpu.memory_space<vmem>> -> memref<8xi32, #tpu.memory_space<vmem>>
        %dma_wait3A_835 = tpu.memref_slice %arg2[%multiple_of3A] : memref<200xi32, #tpu.memory_space<hbm>> -> memref<8xi32, #tpu.memory_space<hbm>>
        tpu.wait_dma2 semaphore(%run_scoped3A_823 : memref<!tpu.dma_semaphore, #tpu.memory_space<semaphore_mem>>) src(%dma_wait3A_835 : memref<8xi32, #tpu.memory_space<hbm>>) dst(%dma_wait3A_834 : memref<8xi32, #tpu.memory_space<vmem>>)
        tpu.yield
      }) : () -> ()
      %get3A = arith.constant 0 : index
      %get3A_5 = tpu.vector_load %arg5[%get3A] {strides = array<i32>} : memref<16xi32, #tpu.memory_space<vmem>>, vector<16xi32>,
      %slice3A = vector.extract_strided_slice %get3A_5 {offsets = [0], sizes = [1], strides = [1]} : vector<16xi32> to vector<1xi32>
      %squeeze3A = vector.extract %slice3A[0] : i32 from vector<1xi32>
      %jit3A = arith.constant 128 : i32
      %div3A = arith.divsi %squeeze3A, %jit3A : i32
      %sign3A = arith.constant 0 : i32
      %sign3A_6 = arith.cmpi sgt, %squeeze3A, %sign3A : i32
      %sign3A_7 = arith.extui %sign3A_6 : i1 to i32
      %sign3A_8 = arith.constant 0 : i32
      %sign3A_9 = arith.cmpi slt, %squeeze3A, %sign3A_8 : i32
      %sign3A_10 = arith.extui %sign3A_9 : i1 to i32
      %sign3A_11 = arith.subi %sign3A_7, %sign3A_10 : i32
      %sign3A_12 = arith.constant 0 : i32
      %sign3A_13 = arith.cmpi sgt, %jit3A, %sign3A_12 : i32
      %sign3A_14 = arith.extui %sign3A_13 : i1 to i32
      %sign3A_15 = arith.constant 0 : i32
      %sign3A_16 = arith.cmpi slt, %jit3A, %sign3A_15 : i32
      %sign3A_17 = arith.extui %sign3A_16 : i1 to i32
      %sign3A_18 = arith.subi %sign3A_14, %sign3A_17 : i32
      %ne3A = arith.cmpi ne, %sign3A_11, %sign3A_18 : i32
      %rem3A = arith.remsi %squeeze3A, %jit3A : i32
      %ne3A_19 = arith.constant 0 : i32
      %ne3A_20 = arith.cmpi ne, %rem3A, %ne3A_19 : i32
      %and3A = arith.andi %ne3A, %ne3A_20 : i1
      %sub3A = arith.constant 1 : i32
      %sub3A_21 = arith.subi %div3A, %sub3A : i32
      %select_n3A = arith.select %and3A, %sub3A_21, %div3A : i32
      %mul3A_22 = arith.constant 128 : i32
      %mul3A_23 = arith.muli %select_n3A, %mul3A_22 : i32
      %multiple_of3A_24 = tpu.assume_multiple %mul3A_23, 128 : i32
      %dma_start3A = arith.constant 0 : i32
      %dma_start3A_25 = arith.constant 0 : i32
      %dma_start3A_26 = arith.constant 0 : i32
      %dma_start3A_27 = tpu.memref_slice %arg6[%dma_start3A, %dma_start3A_25, %dma_start3A_26] : memref<8x64x128xf32, #tpu.memory_space<vmem>> -> memref<1x64x128xf32, #tpu.memory_space<vmem>>
      %dma_start3A_28 = tpu.memref_squeeze %dma_start3A_27 : memref<1x64x128xf32, #tpu.memory_space<vmem>> -> memref<64x128xf32, #tpu.memory_space<vmem>>
      %dma_start3A_29 = arith.constant 0 : i32
      %dma_start3A_30 = tpu.memref_slice %arg3[%dma_start3A_29, %multiple_of3A_24] : memref<64x1000000xf32, #tpu.memory_space<hbm>> -> memref<64x128xf32, #tpu.memory_space<hbm>>
      %dma_start3A_31 = arith.constant 0 : i32
      %dma_start3A_32 = arith.constant 0 : i32
      %dma_start3A_33 = tpu.memref_slice %arg6[%dma_start3A, %dma_start3A_31, %dma_start3A_32] : memref<8x64x128xf32, #tpu.memory_space<vmem>> -> memref<1x64x128xf32, #tpu.memory_space<vmem>>
      %dma_start3A_34 = tpu.memref_squeeze %dma_start3A_33 : memref<1x64x128xf32, #tpu.memory_space<vmem>> -> memref<64x128xf32, #tpu.memory_space<vmem>>
      %dma_start3A_35 = arith.constant 0 : i32
      %dma_start3A_36 = tpu.memref_slice %arg3[%dma_start3A_35, %multiple_of3A_24] : memref<64x1000000xf32, #tpu.memory_space<hbm>> -> memref<64x128xf32, #tpu.memory_space<hbm>>
      tpu.enqueue_dma source(%dma_start3A_36 : memref<64x128xf32, #tpu.memory_space<hbm>>) target(%dma_start3A_34 : memref<64x128xf32, #tpu.memory_space<vmem>>) target_semaphore(%arg8 : memref<!tpu.dma_semaphore, #tpu.memory_space<semaphore_mem>>)
      %slice3A_37 = vector.extract_strided_slice %get3A_5 {offsets = [1], sizes = [1], strides = [1]} : vector<16xi32> to vector<1xi32>
      %squeeze3A_38 = vector.extract %slice3A_37[0] : i32 from vector<1xi32>
      %jit3A_39 = arith.constant 128 : i32
      %div3A_40 = arith.divsi %squeeze3A_38, %jit3A_39 : i32
      %sign3A_41 = arith.constant 0 : i32
      %sign3A_42 = arith.cmpi sgt, %squeeze3A_38, %sign3A_41 : i32
      %sign3A_43 = arith.extui %sign3A_42 : i1 to i32
      %sign3A_44 = arith.constant 0 : i32
      %sign3A_45 = arith.cmpi slt, %squeeze3A_38, %sign3A_44 : i32
      %sign3A_46 = arith.extui %sign3A_45 : i1 to i32
      %sign3A_47 = arith.subi %sign3A_43, %sign3A_46 : i32
      %sign3A_48 = arith.constant 0 : i32
      %sign3A_49 = arith.cmpi sgt, %jit3A_39, %sign3A_48 : i32
      %sign3A_50 = arith.extui %sign3A_49 : i1 to i32
      %sign3A_51 = arith.constant 0 : i32
      %sign3A_52 = arith.cmpi slt, %jit3A_39, %sign3A_51 : i32
      %sign3A_53 = arith.extui %sign3A_52 : i1 to i32
      %sign3A_54 = arith.subi %sign3A_50, %sign3A_53 : i32
      %ne3A_55 = arith.cmpi ne, %sign3A_47, %sign3A_54 : i32
      %rem3A_56 = arith.remsi %squeeze3A_38, %jit3A_39 : i32
      %ne3A_57 = arith.constant 0 : i32
      %ne3A_58 = arith.cmpi ne, %rem3A_56, %ne3A_57 : i32
      %and3A_59 = arith.andi %ne3A_55, %ne3A_58 : i1
      %sub3A_60 = arith.constant 1 : i32
      %sub3A_61 = arith.subi %div3A_40, %sub3A_60 : i32
      %select_n3A_62 = arith.select %and3A_59, %sub3A_61, %div3A_40 : i32
      %mul3A_63 = arith.constant 128 : i32
      %mul3A_64 = arith.muli %select_n3A_62, %mul3A_63 : i32
      %multiple_of3A_65 = tpu.assume_multiple %mul3A_64, 128 : i32
      %dma_start3A_66 = arith.constant 1 : i32
      %dma_start3A_67 = arith.constant 0 : i32
      %dma_start3A_68 = arith.constant 0 : i32
      %dma_start3A_69 = tpu.memref_slice %arg6[%dma_start3A_66, %dma_start3A_67, %dma_start3A_68] : memref<8x64x128xf32, #tpu.memory_space<vmem>> -> memref<1x64x128xf32, #tpu.memory_space<vmem>>
      %dma_start3A_70 = tpu.memref_squeeze %dma_start3A_69 : memref<1x64x128xf32, #tpu.memory_space<vmem>> -> memref<64x128xf32, #tpu.memory_space<vmem>>
      %dma_start3A_71 = arith.constant 0 : i32
      %dma_start3A_72 = tpu.memref_slice %arg3[%dma_start3A_71, %multiple_of3A_65] : memref<64x1000000xf32, #tpu.memory_space<hbm>> -> memref<64x128xf32, #tpu.memory_space<hbm>>
      %dma_start3A_73 = arith.constant 0 : i32
      %dma_start3A_74 = arith.constant 0 : i32
      %dma_start3A_75 = tpu.memref_slice %arg6[%dma_start3A_66, %dma_start3A_73, %dma_start3A_74] : memref<8x64x128xf32, #tpu.memory_space<vmem>> -> memref<1x64x128xf32, #tpu.memory_space<vmem>>
      %dma_start3A_76 = tpu.memref_squeeze %dma_start3A_75 : memref<1x64x128xf32, #tpu.memory_space<vmem>> -> memref<64x128xf32, #tpu.memory_space<vmem>>
      %dma_start3A_77 = arith.constant 0 : i32
      %dma_start3A_78 = tpu.memref_slice %arg3[%dma_start3A_77, %multiple_of3A_65] : memref<64x1000000xf32, #tpu.memory_space<hbm>> -> memref<64x128xf32, #tpu.memory_space<hbm>>
      tpu.enqueue_dma source(%dma_start3A_78 : memref<64x128xf32, #tpu.memory_space<hbm>>) target(%dma_start3A_76 : memref<64x128xf32, #tpu.memory_space<vmem>>) target_semaphore(%arg8 : memref<!tpu.dma_semaphore, #tpu.memory_space<semaphore_mem>>)
      %slice3A_79 = vector.extract_strided_slice %get3A_5 {offsets = [2], sizes = [1], strides = [1]} : vector<16xi32> to vector<1xi32>
      %squeeze3A_80 = vector.extract %slice3A_79[0] : i32 from vector<1xi32>
      %jit3A_81 = arith.constant 128 : i32
      %div3A_82 = arith.divsi %squeeze3A_80, %jit3A_81 : i32
      %sign3A_83 = arith.constant 0 : i32
      %sign3A_84 = arith.cmpi sgt, %squeeze3A_80, %sign3A_83 : i32
      %sign3A_85 = arith.extui %sign3A_84 : i1 to i32
      %sign3A_86 = arith.constant 0 : i32
      %sign3A_87 = arith.cmpi slt, %squeeze3A_80, %sign3A_86 : i32
      %sign3A_88 = arith.extui %sign3A_87 : i1 to i32
      %sign3A_89 = arith.subi %sign3A_85, %sign3A_88 : i32
      %sign3A_90 = arith.constant 0 : i32
      %sign3A_91 = arith.cmpi sgt, %jit3A_81, %sign3A_90 : i32
      %sign3A_92 = arith.extui %sign3A_91 : i1 to i32
      %sign3A_93 = arith.constant 0 : i32
      %sign3A_94 = arith.cmpi slt, %jit3A_81, %sign3A_93 : i32
      %sign3A_95 = arith.extui %sign3A_94 : i1 to i32
      %sign3A_96 = arith.subi %sign3A_92, %sign3A_95 : i32
      %ne3A_97 = arith.cmpi ne, %sign3A_89, %sign3A_96 : i32
      %rem3A_98 = arith.remsi %squeeze3A_80, %jit3A_81 : i32
      %ne3A_99 = arith.constant 0 : i32
      %ne3A_100 = arith.cmpi ne, %rem3A_98, %ne3A_99 : i32
      %and3A_101 = arith.andi %ne3A_97, %ne3A_100 : i1
      %sub3A_102 = arith.constant 1 : i32
      %sub3A_103 = arith.subi %div3A_82, %sub3A_102 : i32
      %select_n3A_104 = arith.select %and3A_101, %sub3A_103, %div3A_82 : i32
      %mul3A_105 = arith.constant 128 : i32
      %mul3A_106 = arith.muli %select_n3A_104, %mul3A_105 : i32
      %multiple_of3A_107 = tpu.assume_multiple %mul3A_106, 128 : i32
      %dma_start3A_108 = arith.constant 2 : i32
      %dma_start3A_109 = arith.constant 0 : i32
      %dma_start3A_110 = arith.constant 0 : i32
      %dma_start3A_111 = tpu.memref_slice %arg6[%dma_start3A_108, %dma_start3A_109, %dma_start3A_110] : memref<8x64x128xf32, #tpu.memory_space<vmem>> -> memref<1x64x128xf32, #tpu.memory_space<vmem>>
      %dma_start3A_112 = tpu.memref_squeeze %dma_start3A_111 : memref<1x64x128xf32, #tpu.memory_space<vmem>> -> memref<64x128xf32, #tpu.memory_space<vmem>>
      %dma_start3A_113 = arith.constant 0 : i32
      %dma_start3A_114 = tpu.memref_slice %arg3[%dma_start3A_113, %multiple_of3A_107] : memref<64x1000000xf32, #tpu.memory_space<hbm>> -> memref<64x128xf32, #tpu.memory_space<hbm>>
      %dma_start3A_115 = arith.constant 0 : i32
      %dma_start3A_116 = arith.constant 0 : i32
      %dma_start3A_117 = tpu.memref_slice %arg6[%dma_start3A_108, %dma_start3A_115, %dma_start3A_116] : memref<8x64x128xf32, #tpu.memory_space<vmem>> -> memref<1x64x128xf32, #tpu.memory_space<vmem>>
      %dma_start3A_118 = tpu.memref_squeeze %dma_start3A_117 : memref<1x64x128xf32, #tpu.memory_space<vmem>> -> memref<64x128xf32, #tpu.memory_space<vmem>>
      %dma_start3A_119 = arith.constant 0 : i32
      %dma_start3A_120 = tpu.memref_slice %arg3[%dma_start3A_119, %multiple_of3A_107] : memref<64x1000000xf32, #tpu.memory_space<hbm>> -> memref<64x128xf32, #tpu.memory_space<hbm>>
      tpu.enqueue_dma source(%dma_start3A_120 : memref<64x128xf32, #tpu.memory_space<hbm>>) target(%dma_start3A_118 : memref<64x128xf32, #tpu.memory_space<vmem>>) target_semaphore(%arg8 : memref<!tpu.dma_semaphore, #tpu.memory_space<semaphore_mem>>)
      %slice3A_121 = vector.extract_strided_slice %get3A_5 {offsets = [3], sizes = [1], strides = [1]} : vector<16xi32> to vector<1xi32>
      %squeeze3A_122 = vector.extract %slice3A_121[0] : i32 from vector<1xi32>
      %jit3A_123 = arith.constant 128 : i32
      %div3A_124 = arith.divsi %squeeze3A_122, %jit3A_123 : i32
      %sign3A_125 = arith.constant 0 : i32
      %sign3A_126 = arith.cmpi sgt, %squeeze3A_122, %sign3A_125 : i32
      %sign3A_127 = arith.extui %sign3A_126 : i1 to i32
      %sign3A_128 = arith.constant 0 : i32
      %sign3A_129 = arith.cmpi slt, %squeeze3A_122, %sign3A_128 : i32
      %sign3A_130 = arith.extui %sign3A_129 : i1 to i32
      %sign3A_131 = arith.subi %sign3A_127, %sign3A_130 : i32
      %sign3A_132 = arith.constant 0 : i32
      %sign3A_133 = arith.cmpi sgt, %jit3A_123, %sign3A_132 : i32
      %sign3A_134 = arith.extui %sign3A_133 : i1 to i32
      %sign3A_135 = arith.constant 0 : i32
      %sign3A_136 = arith.cmpi slt, %jit3A_123, %sign3A_135 : i32
      %sign3A_137 = arith.extui %sign3A_136 : i1 to i32
      %sign3A_138 = arith.subi %sign3A_134, %sign3A_137 : i32
      %ne3A_139 = arith.cmpi ne, %sign3A_131, %sign3A_138 : i32
      %rem3A_140 = arith.remsi %squeeze3A_122, %jit3A_123 : i32
      %ne3A_141 = arith.constant 0 : i32
      %ne3A_142 = arith.cmpi ne, %rem3A_140, %ne3A_141 : i32
      %and3A_143 = arith.andi %ne3A_139, %ne3A_142 : i1
      %sub3A_144 = arith.constant 1 : i32
      %sub3A_145 = arith.subi %div3A_124, %sub3A_144 : i32
      %select_n3A_146 = arith.select %and3A_143, %sub3A_145, %div3A_124 : i32
      %mul3A_147 = arith.constant 128 : i32
      %mul3A_148 = arith.muli %select_n3A_146, %mul3A_147 : i32
      %multiple_of3A_149 = tpu.assume_multiple %mul3A_148, 128 : i32
      %dma_start3A_150 = arith.constant 3 : i32
      %dma_start3A_151 = arith.constant 0 : i32
      %dma_start3A_152 = arith.constant 0 : i32
      %dma_start3A_153 = tpu.memref_slice %arg6[%dma_start3A_150, %dma_start3A_151, %dma_start3A_152] : memref<8x64x128xf32, #tpu.memory_space<vmem>> -> memref<1x64x128xf32, #tpu.memory_space<vmem>>
      %dma_start3A_154 = tpu.memref_squeeze %dma_start3A_153 : memref<1x64x128xf32, #tpu.memory_space<vmem>> -> memref<64x128xf32, #tpu.memory_space<vmem>>
      %dma_start3A_155 = arith.constant 0 : i32
      %dma_start3A_156 = tpu.memref_slice %arg3[%dma_start3A_155, %multiple_of3A_149] : memref<64x1000000xf32, #tpu.memory_space<hbm>> -> memref<64x128xf32, #tpu.memory_space<hbm>>
      %dma_start3A_157 = arith.constant 0 : i32
      %dma_start3A_158 = arith.constant 0 : i32
      %dma_start3A_159 = tpu.memref_slice %arg6[%dma_start3A_150, %dma_start3A_157, %dma_start3A_158] : memref<8x64x128xf32, #tpu.memory_space<vmem>> -> memref<1x64x128xf32, #tpu.memory_space<vmem>>
      %dma_start3A_160 = tpu.memref_squeeze %dma_start3A_159 : memref<1x64x128xf32, #tpu.memory_space<vmem>> -> memref<64x128xf32, #tpu.memory_space<vmem>>
      %dma_start3A_161 = arith.constant 0 : i32
      %dma_start3A_162 = tpu.memref_slice %arg3[%dma_start3A_161, %multiple_of3A_149] : memref<64x1000000xf32, #tpu.memory_space<hbm>> -> memref<64x128xf32, #tpu.memory_space<hbm>>
      tpu.enqueue_dma source(%dma_start3A_162 : memref<64x128xf32, #tpu.memory_space<hbm>>) target(%dma_start3A_160 : memref<64x128xf32, #tpu.memory_space<vmem>>) target_semaphore(%arg8 : memref<!tpu.dma_semaphore, #tpu.memory_space<semaphore_mem>>)
      %slice3A_163 = vector.extract_strided_slice %get3A_5 {offsets = [4], sizes = [1], strides = [1]} : vector<16xi32> to vector<1xi32>
      %squeeze3A_164 = vector.extract %slice3A_163[0] : i32 from vector<1xi32>
      %jit3A_165 = arith.constant 128 : i32
      %div3A_166 = arith.divsi %squeeze3A_164, %jit3A_165 : i32
      %sign3A_167 = arith.constant 0 : i32
      %sign3A_168 = arith.cmpi sgt, %squeeze3A_164, %sign3A_167 : i32
      %sign3A_169 = arith.extui %sign3A_168 : i1 to i32
      %sign3A_170 = arith.constant 0 : i32
      %sign3A_171 = arith.cmpi slt, %squeeze3A_164, %sign3A_170 : i32
      %sign3A_172 = arith.extui %sign3A_171 : i1 to i32
      %sign3A_173 = arith.subi %sign3A_169, %sign3A_172 : i32
      %sign3A_174 = arith.constant 0 : i32
      %sign3A_175 = arith.cmpi sgt, %jit3A_165, %sign3A_174 : i32
      %sign3A_176 = arith.extui %sign3A_175 : i1 to i32
      %sign3A_177 = arith.constant 0 : i32
      %sign3A_178 = arith.cmpi slt, %jit3A_165, %sign3A_177 : i32
      %sign3A_179 = arith.extui %sign3A_178 : i1 to i32
      %sign3A_180 = arith.subi %sign3A_176, %sign3A_179 : i32
      %ne3A_181 = arith.cmpi ne, %sign3A_173, %sign3A_180 : i32
      %rem3A_182 = arith.remsi %squeeze3A_164, %jit3A_165 : i32
      %ne3A_183 = arith.constant 0 : i32
      %ne3A_184 = arith.cmpi ne, %rem3A_182, %ne3A_183 : i32
      %and3A_185 = arith.andi %ne3A_181, %ne3A_184 : i1
      %sub3A_186 = arith.constant 1 : i32
      %sub3A_187 = arith.subi %div3A_166, %sub3A_186 : i32
      %select_n3A_188 = arith.select %and3A_185, %sub3A_187, %div3A_166 : i32
      %mul3A_189 = arith.constant 128 : i32
      %mul3A_190 = arith.muli %select_n3A_188, %mul3A_189 : i32
      %multiple_of3A_191 = tpu.assume_multiple %mul3A_190, 128 : i32
      %dma_start3A_192 = arith.constant 4 : i32
      %dma_start3A_193 = arith.constant 0 : i32
      %dma_start3A_194 = arith.constant 0 : i32
      %dma_start3A_195 = tpu.memref_slice %arg6[%dma_start3A_192, %dma_start3A_193, %dma_start3A_194] : memref<8x64x128xf32, #tpu.memory_space<vmem>> -> memref<1x64x128xf32, #tpu.memory_space<vmem>>
      %dma_start3A_196 = tpu.memref_squeeze %dma_start3A_195 : memref<1x64x128xf32, #tpu.memory_space<vmem>> -> memref<64x128xf32, #tpu.memory_space<vmem>>
      %dma_start3A_197 = arith.constant 0 : i32
      %dma_start3A_198 = tpu.memref_slice %arg3[%dma_start3A_197, %multiple_of3A_191] : memref<64x1000000xf32, #tpu.memory_space<hbm>> -> memref<64x128xf32, #tpu.memory_space<hbm>>
      %dma_start3A_199 = arith.constant 0 : i32
      %dma_start3A_200 = arith.constant 0 : i32
      %dma_start3A_201 = tpu.memref_slice %arg6[%dma_start3A_192, %dma_start3A_199, %dma_start3A_200] : memref<8x64x128xf32, #tpu.memory_space<vmem>> -> memref<1x64x128xf32, #tpu.memory_space<vmem>>
      %dma_start3A_202 = tpu.memref_squeeze %dma_start3A_201 : memref<1x64x128xf32, #tpu.memory_space<vmem>> -> memref<64x128xf32, #tpu.memory_space<vmem>>
      %dma_start3A_203 = arith.constant 0 : i32
      %dma_start3A_204 = tpu.memref_slice %arg3[%dma_start3A_203, %multiple_of3A_191] : memref<64x1000000xf32, #tpu.memory_space<hbm>> -> memref<64x128xf32, #tpu.memory_space<hbm>>
      tpu.enqueue_dma source(%dma_start3A_204 : memref<64x128xf32, #tpu.memory_space<hbm>>) target(%dma_start3A_202 : memref<64x128xf32, #tpu.memory_space<vmem>>) target_semaphore(%arg8 : memref<!tpu.dma_semaphore, #tpu.memory_space<semaphore_mem>>)
      %slice3A_205 = vector.extract_strided_slice %get3A_5 {offsets = [5], sizes = [1], strides = [1]} : vector<16xi32> to vector<1xi32>
      %squeeze3A_206 = vector.extract %slice3A_205[0] : i32 from vector<1xi32>
      %jit3A_207 = arith.constant 128 : i32
      %div3A_208 = arith.divsi %squeeze3A_206, %jit3A_207 : i32
      %sign3A_209 = arith.constant 0 : i32
      %sign3A_210 = arith.cmpi sgt, %squeeze3A_206, %sign3A_209 : i32
      %sign3A_211 = arith.extui %sign3A_210 : i1 to i32
      %sign3A_212 = arith.constant 0 : i32
      %sign3A_213 = arith.cmpi slt, %squeeze3A_206, %sign3A_212 : i32
      %sign3A_214 = arith.extui %sign3A_213 : i1 to i32
      %sign3A_215 = arith.subi %sign3A_211, %sign3A_214 : i32
      %sign3A_216 = arith.constant 0 : i32
      %sign3A_217 = arith.cmpi sgt, %jit3A_207, %sign3A_216 : i32
      %sign3A_218 = arith.extui %sign3A_217 : i1 to i32
      %sign3A_219 = arith.constant 0 : i32
      %sign3A_220 = arith.cmpi slt, %jit3A_207, %sign3A_219 : i32
      %sign3A_221 = arith.extui %sign3A_220 : i1 to i32
      %sign3A_222 = arith.subi %sign3A_218, %sign3A_221 : i32
      %ne3A_223 = arith.cmpi ne, %sign3A_215, %sign3A_222 : i32
      %rem3A_224 = arith.remsi %squeeze3A_206, %jit3A_207 : i32
      %ne3A_225 = arith.constant 0 : i32
      %ne3A_226 = arith.cmpi ne, %rem3A_224, %ne3A_225 : i32
      %and3A_227 = arith.andi %ne3A_223, %ne3A_226 : i1
      %sub3A_228 = arith.constant 1 : i32
      %sub3A_229 = arith.subi %div3A_208, %sub3A_228 : i32
      %select_n3A_230 = arith.select %and3A_227, %sub3A_229, %div3A_208 : i32
      %mul3A_231 = arith.constant 128 : i32
      %mul3A_232 = arith.muli %select_n3A_230, %mul3A_231 : i32
      %multiple_of3A_233 = tpu.assume_multiple %mul3A_232, 128 : i32
      %dma_start3A_234 = arith.constant 5 : i32
      %dma_start3A_235 = arith.constant 0 : i32
      %dma_start3A_236 = arith.constant 0 : i32
      %dma_start3A_237 = tpu.memref_slice %arg6[%dma_start3A_234, %dma_start3A_235, %dma_start3A_236] : memref<8x64x128xf32, #tpu.memory_space<vmem>> -> memref<1x64x128xf32, #tpu.memory_space<vmem>>
      %dma_start3A_238 = tpu.memref_squeeze %dma_start3A_237 : memref<1x64x128xf32, #tpu.memory_space<vmem>> -> memref<64x128xf32, #tpu.memory_space<vmem>>
      %dma_start3A_239 = arith.constant 0 : i32
      %dma_start3A_240 = tpu.memref_slice %arg3[%dma_start3A_239, %multiple_of3A_233] : memref<64x1000000xf32, #tpu.memory_space<hbm>> -> memref<64x128xf32, #tpu.memory_space<hbm>>
      %dma_start3A_241 = arith.constant 0 : i32
      %dma_start3A_242 = arith.constant 0 : i32
      %dma_start3A_243 = tpu.memref_slice %arg6[%dma_start3A_234, %dma_start3A_241, %dma_start3A_242] : memref<8x64x128xf32, #tpu.memory_space<vmem>> -> memref<1x64x128xf32, #tpu.memory_space<vmem>>
      %dma_start3A_244 = tpu.memref_squeeze %dma_start3A_243 : memref<1x64x128xf32, #tpu.memory_space<vmem>> -> memref<64x128xf32, #tpu.memory_space<vmem>>
      %dma_start3A_245 = arith.constant 0 : i32
      %dma_start3A_246 = tpu.memref_slice %arg3[%dma_start3A_245, %multiple_of3A_233] : memref<64x1000000xf32, #tpu.memory_space<hbm>> -> memref<64x128xf32, #tpu.memory_space<hbm>>
      tpu.enqueue_dma source(%dma_start3A_246 : memref<64x128xf32, #tpu.memory_space<hbm>>) target(%dma_start3A_244 : memref<64x128xf32, #tpu.memory_space<vmem>>) target_semaphore(%arg8 : memref<!tpu.dma_semaphore, #tpu.memory_space<semaphore_mem>>)
      %slice3A_247 = vector.extract_strided_slice %get3A_5 {offsets = [6], sizes = [1], strides = [1]} : vector<16xi32> to vector<1xi32>
      %squeeze3A_248 = vector.extract %slice3A_247[0] : i32 from vector<1xi32>
      %jit3A_249 = arith.constant 128 : i32
      %div3A_250 = arith.divsi %squeeze3A_248, %jit3A_249 : i32
      %sign3A_251 = arith.constant 0 : i32
      %sign3A_252 = arith.cmpi sgt, %squeeze3A_248, %sign3A_251 : i32
      %sign3A_253 = arith.extui %sign3A_252 : i1 to i32
      %sign3A_254 = arith.constant 0 : i32
      %sign3A_255 = arith.cmpi slt, %squeeze3A_248, %sign3A_254 : i32
      %sign3A_256 = arith.extui %sign3A_255 : i1 to i32
      %sign3A_257 = arith.subi %sign3A_253, %sign3A_256 : i32
      %sign3A_258 = arith.constant 0 : i32
      %sign3A_259 = arith.cmpi sgt, %jit3A_249, %sign3A_258 : i32
      %sign3A_260 = arith.extui %sign3A_259 : i1 to i32
      %sign3A_261 = arith.constant 0 : i32
      %sign3A_262 = arith.cmpi slt, %jit3A_249, %sign3A_261 : i32
      %sign3A_263 = arith.extui %sign3A_262 : i1 to i32
      %sign3A_264 = arith.subi %sign3A_260, %sign3A_263 : i32
      %ne3A_265 = arith.cmpi ne, %sign3A_257, %sign3A_264 : i32
      %rem3A_266 = arith.remsi %squeeze3A_248, %jit3A_249 : i32
      %ne3A_267 = arith.constant 0 : i32
      %ne3A_268 = arith.cmpi ne, %rem3A_266, %ne3A_267 : i32
      %and3A_269 = arith.andi %ne3A_265, %ne3A_268 : i1
      %sub3A_270 = arith.constant 1 : i32
      %sub3A_271 = arith.subi %div3A_250, %sub3A_270 : i32
      %select_n3A_272 = arith.select %and3A_269, %sub3A_271, %div3A_250 : i32
      %mul3A_273 = arith.constant 128 : i32
      %mul3A_274 = arith.muli %select_n3A_272, %mul3A_273 : i32
      %multiple_of3A_275 = tpu.assume_multiple %mul3A_274, 128 : i32
      %dma_start3A_276 = arith.constant 6 : i32
      %dma_start3A_277 = arith.constant 0 : i32
      %dma_start3A_278 = arith.constant 0 : i32
      %dma_start3A_279 = tpu.memref_slice %arg6[%dma_start3A_276, %dma_start3A_277, %dma_start3A_278] : memref<8x64x128xf32, #tpu.memory_space<vmem>> -> memref<1x64x128xf32, #tpu.memory_space<vmem>>
      %dma_start3A_280 = tpu.memref_squeeze %dma_start3A_279 : memref<1x64x128xf32, #tpu.memory_space<vmem>> -> memref<64x128xf32, #tpu.memory_space<vmem>>
      %dma_start3A_281 = arith.constant 0 : i32
      %dma_start3A_282 = tpu.memref_slice %arg3[%dma_start3A_281, %multiple_of3A_275] : memref<64x1000000xf32, #tpu.memory_space<hbm>> -> memref<64x128xf32, #tpu.memory_space<hbm>>
      %dma_start3A_283 = arith.constant 0 : i32
      %dma_start3A_284 = arith.constant 0 : i32
      %dma_start3A_285 = tpu.memref_slice %arg6[%dma_start3A_276, %dma_start3A_283, %dma_start3A_284] : memref<8x64x128xf32, #tpu.memory_space<vmem>> -> memref<1x64x128xf32, #tpu.memory_space<vmem>>
      %dma_start3A_286 = tpu.memref_squeeze %dma_start3A_285 : memref<1x64x128xf32, #tpu.memory_space<vmem>> -> memref<64x128xf32, #tpu.memory_space<vmem>>
      %dma_start3A_287 = arith.constant 0 : i32
      %dma_start3A_288 = tpu.memref_slice %arg3[%dma_start3A_287, %multiple_of3A_275] : memref<64x1000000xf32, #tpu.memory_space<hbm>> -> memref<64x128xf32, #tpu.memory_space<hbm>>
      tpu.enqueue_dma source(%dma_start3A_288 : memref<64x128xf32, #tpu.memory_space<hbm>>) target(%dma_start3A_286 : memref<64x128xf32, #tpu.memory_space<vmem>>) target_semaphore(%arg8 : memref<!tpu.dma_semaphore, #tpu.memory_space<semaphore_mem>>)
      %slice3A_289 = vector.extract_strided_slice %get3A_5 {offsets = [7], sizes = [1], strides = [1]} : vector<16xi32> to vector<1xi32>
      %squeeze3A_290 = vector.extract %slice3A_289[0] : i32 from vector<1xi32>
      %jit3A_291 = arith.constant 128 : i32
      %div3A_292 = arith.divsi %squeeze3A_290, %jit3A_291 : i32
      %sign3A_293 = arith.constant 0 : i32
      %sign3A_294 = arith.cmpi sgt, %squeeze3A_290, %sign3A_293 : i32
      %sign3A_295 = arith.extui %sign3A_294 : i1 to i32
      %sign3A_296 = arith.constant 0 : i32
      %sign3A_297 = arith.cmpi slt, %squeeze3A_290, %sign3A_296 : i32
      %sign3A_298 = arith.extui %sign3A_297 : i1 to i32
      %sign3A_299 = arith.subi %sign3A_295, %sign3A_298 : i32
      %sign3A_300 = arith.constant 0 : i32
      %sign3A_301 = arith.cmpi sgt, %jit3A_291, %sign3A_300 : i32
      %sign3A_302 = arith.extui %sign3A_301 : i1 to i32
      %sign3A_303 = arith.constant 0 : i32
      %sign3A_304 = arith.cmpi slt, %jit3A_291, %sign3A_303 : i32
      %sign3A_305 = arith.extui %sign3A_304 : i1 to i32
      %sign3A_306 = arith.subi %sign3A_302, %sign3A_305 : i32
      %ne3A_307 = arith.cmpi ne, %sign3A_299, %sign3A_306 : i32
      %rem3A_308 = arith.remsi %squeeze3A_290, %jit3A_291 : i32
      %ne3A_309 = arith.constant 0 : i32
      %ne3A_310 = arith.cmpi ne, %rem3A_308, %ne3A_309 : i32
      %and3A_311 = arith.andi %ne3A_307, %ne3A_310 : i1
      %sub3A_312 = arith.constant 1 : i32
      %sub3A_313 = arith.subi %div3A_292, %sub3A_312 : i32
      %select_n3A_314 = arith.select %and3A_311, %sub3A_313, %div3A_292 : i32
      %mul3A_315 = arith.constant 128 : i32
      %mul3A_316 = arith.muli %select_n3A_314, %mul3A_315 : i32
      %multiple_of3A_317 = tpu.assume_multiple %mul3A_316, 128 : i32
      %dma_start3A_318 = arith.constant 7 : i32
      %dma_start3A_319 = arith.constant 0 : i32
      %dma_start3A_320 = arith.constant 0 : i32
      %dma_start3A_321 = tpu.memref_slice %arg6[%dma_start3A_318, %dma_start3A_319, %dma_start3A_320] : memref<8x64x128xf32, #tpu.memory_space<vmem>> -> memref<1x64x128xf32, #tpu.memory_space<vmem>>
      %dma_start3A_322 = tpu.memref_squeeze %dma_start3A_321 : memref<1x64x128xf32, #tpu.memory_space<vmem>> -> memref<64x128xf32, #tpu.memory_space<vmem>>
      %dma_start3A_323 = arith.constant 0 : i32
      %dma_start3A_324 = tpu.memref_slice %arg3[%dma_start3A_323, %multiple_of3A_317] : memref<64x1000000xf32, #tpu.memory_space<hbm>> -> memref<64x128xf32, #tpu.memory_space<hbm>>
      %dma_start3A_325 = arith.constant 0 : i32
      %dma_start3A_326 = arith.constant 0 : i32
      %dma_start3A_327 = tpu.memref_slice %arg6[%dma_start3A_318, %dma_start3A_325, %dma_start3A_326] : memref<8x64x128xf32, #tpu.memory_space<vmem>> -> memref<1x64x128xf32, #tpu.memory_space<vmem>>
      %dma_start3A_328 = tpu.memref_squeeze %dma_start3A_327 : memref<1x64x128xf32, #tpu.memory_space<vmem>> -> memref<64x128xf32, #tpu.memory_space<vmem>>
      %dma_start3A_329 = arith.constant 0 : i32
      %dma_start3A_330 = tpu.memref_slice %arg3[%dma_start3A_329, %multiple_of3A_317] : memref<64x1000000xf32, #tpu.memory_space<hbm>> -> memref<64x128xf32, #tpu.memory_space<hbm>>
      tpu.enqueue_dma source(%dma_start3A_330 : memref<64x128xf32, #tpu.memory_space<hbm>>) target(%dma_start3A_328 : memref<64x128xf32, #tpu.memory_space<vmem>>) target_semaphore(%arg8 : memref<!tpu.dma_semaphore, #tpu.memory_space<semaphore_mem>>)
      %dma_wait3A = arith.constant 0 : i32
      %dma_wait3A_331 = arith.constant 0 : i32
      %dma_wait3A_332 = arith.constant 0 : i32
      %dma_wait3A_333 = tpu.memref_slice %arg6[%dma_wait3A, %dma_wait3A_331, %dma_wait3A_332] : memref<8x64x128xf32, #tpu.memory_space<vmem>> -> memref<1x64x128xf32, #tpu.memory_space<vmem>>
      %dma_wait3A_334 = tpu.memref_squeeze %dma_wait3A_333 : memref<1x64x128xf32, #tpu.memory_space<vmem>> -> memref<64x128xf32, #tpu.memory_space<vmem>>
      %dma_wait3A_335 = arith.constant 0 : i32
      %dma_wait3A_336 = tpu.memref_slice %arg3[%dma_wait3A_335, %multiple_of3A_24] : memref<64x1000000xf32, #tpu.memory_space<hbm>> -> memref<64x128xf32, #tpu.memory_space<hbm>>
      %dma_wait3A_337 = arith.constant 0 : i32
      %dma_wait3A_338 = arith.constant 0 : i32
      %dma_wait3A_339 = tpu.memref_slice %arg6[%dma_wait3A, %dma_wait3A_337, %dma_wait3A_338] : memref<8x64x128xf32, #tpu.memory_space<vmem>> -> memref<1x64x128xf32, #tpu.memory_space<vmem>>
      %dma_wait3A_340 = tpu.memref_squeeze %dma_wait3A_339 : memref<1x64x128xf32, #tpu.memory_space<vmem>> -> memref<64x128xf32, #tpu.memory_space<vmem>>
      %dma_wait3A_341 = arith.constant 0 : i32
      %dma_wait3A_342 = tpu.memref_slice %arg3[%dma_wait3A_341, %multiple_of3A_24] : memref<64x1000000xf32, #tpu.memory_space<hbm>> -> memref<64x128xf32, #tpu.memory_space<hbm>>
      tpu.wait_dma2 semaphore(%arg8 : memref<!tpu.dma_semaphore, #tpu.memory_space<semaphore_mem>>) src(%dma_wait3A_342 : memref<64x128xf32, #tpu.memory_space<hbm>>) dst(%dma_wait3A_340 : memref<64x128xf32, #tpu.memory_space<vmem>>)
      %dma_wait3A_343 = arith.constant 1 : i32
      %dma_wait3A_344 = arith.constant 0 : i32
      %dma_wait3A_345 = arith.constant 0 : i32
      %dma_wait3A_346 = tpu.memref_slice %arg6[%dma_wait3A_343, %dma_wait3A_344, %dma_wait3A_345] : memref<8x64x128xf32, #tpu.memory_space<vmem>> -> memref<1x64x128xf32, #tpu.memory_space<vmem>>
      %dma_wait3A_347 = tpu.memref_squeeze %dma_wait3A_346 : memref<1x64x128xf32, #tpu.memory_space<vmem>> -> memref<64x128xf32, #tpu.memory_space<vmem>>
      %dma_wait3A_348 = arith.constant 0 : i32
      %dma_wait3A_349 = tpu.memref_slice %arg3[%dma_wait3A_348, %multiple_of3A_65] : memref<64x1000000xf32, #tpu.memory_space<hbm>> -> memref<64x128xf32, #tpu.memory_space<hbm>>
      %dma_wait3A_350 = arith.constant 0 : i32
      %dma_wait3A_351 = arith.constant 0 : i32
      %dma_wait3A_352 = tpu.memref_slice %arg6[%dma_wait3A_343, %dma_wait3A_350, %dma_wait3A_351] : memref<8x64x128xf32, #tpu.memory_space<vmem>> -> memref<1x64x128xf32, #tpu.memory_space<vmem>>
      %dma_wait3A_353 = tpu.memref_squeeze %dma_wait3A_352 : memref<1x64x128xf32, #tpu.memory_space<vmem>> -> memref<64x128xf32, #tpu.memory_space<vmem>>
      %dma_wait3A_354 = arith.constant 0 : i32
      %dma_wait3A_355 = tpu.memref_slice %arg3[%dma_wait3A_354, %multiple_of3A_65] : memref<64x1000000xf32, #tpu.memory_space<hbm>> -> memref<64x128xf32, #tpu.memory_space<hbm>>
      tpu.wait_dma2 semaphore(%arg8 : memref<!tpu.dma_semaphore, #tpu.memory_space<semaphore_mem>>) src(%dma_wait3A_355 : memref<64x128xf32, #tpu.memory_space<hbm>>) dst(%dma_wait3A_353 : memref<64x128xf32, #tpu.memory_space<vmem>>)
      %dma_wait3A_356 = arith.constant 2 : i32
      %dma_wait3A_357 = arith.constant 0 : i32
      %dma_wait3A_358 = arith.constant 0 : i32
      %dma_wait3A_359 = tpu.memref_slice %arg6[%dma_wait3A_356, %dma_wait3A_357, %dma_wait3A_358] : memref<8x64x128xf32, #tpu.memory_space<vmem>> -> memref<1x64x128xf32, #tpu.memory_space<vmem>>
      %dma_wait3A_360 = tpu.memref_squeeze %dma_wait3A_359 : memref<1x64x128xf32, #tpu.memory_space<vmem>> -> memref<64x128xf32, #tpu.memory_space<vmem>>
      %dma_wait3A_361 = arith.constant 0 : i32
      %dma_wait3A_362 = tpu.memref_slice %arg3[%dma_wait3A_361, %multiple_of3A_107] : memref<64x1000000xf32, #tpu.memory_space<hbm>> -> memref<64x128xf32, #tpu.memory_space<hbm>>
      %dma_wait3A_363 = arith.constant 0 : i32
      %dma_wait3A_364 = arith.constant 0 : i32
      %dma_wait3A_365 = tpu.memref_slice %arg6[%dma_wait3A_356, %dma_wait3A_363, %dma_wait3A_364] : memref<8x64x128xf32, #tpu.memory_space<vmem>> -> memref<1x64x128xf32, #tpu.memory_space<vmem>>
      %dma_wait3A_366 = tpu.memref_squeeze %dma_wait3A_365 : memref<1x64x128xf32, #tpu.memory_space<vmem>> -> memref<64x128xf32, #tpu.memory_space<vmem>>
      %dma_wait3A_367 = arith.constant 0 : i32
      %dma_wait3A_368 = tpu.memref_slice %arg3[%dma_wait3A_367, %multiple_of3A_107] : memref<64x1000000xf32, #tpu.memory_space<hbm>> -> memref<64x128xf32, #tpu.memory_space<hbm>>
      tpu.wait_dma2 semaphore(%arg8 : memref<!tpu.dma_semaphore, #tpu.memory_space<semaphore_mem>>) src(%dma_wait3A_368 : memref<64x128xf32, #tpu.memory_space<hbm>>) dst(%dma_wait3A_366 : memref<64x128xf32, #tpu.memory_space<vmem>>)
      %dma_wait3A_369 = arith.constant 3 : i32
      %dma_wait3A_370 = arith.constant 0 : i32
      %dma_wait3A_371 = arith.constant 0 : i32
      %dma_wait3A_372 = tpu.memref_slice %arg6[%dma_wait3A_369, %dma_wait3A_370, %dma_wait3A_371] : memref<8x64x128xf32, #tpu.memory_space<vmem>> -> memref<1x64x128xf32, #tpu.memory_space<vmem>>
      %dma_wait3A_373 = tpu.memref_squeeze %dma_wait3A_372 : memref<1x64x128xf32, #tpu.memory_space<vmem>> -> memref<64x128xf32, #tpu.memory_space<vmem>>
      %dma_wait3A_374 = arith.constant 0 : i32
      %dma_wait3A_375 = tpu.memref_slice %arg3[%dma_wait3A_374, %multiple_of3A_149] : memref<64x1000000xf32, #tpu.memory_space<hbm>> -> memref<64x128xf32, #tpu.memory_space<hbm>>
      %dma_wait3A_376 = arith.constant 0 : i32
      %dma_wait3A_377 = arith.constant 0 : i32
      %dma_wait3A_378 = tpu.memref_slice %arg6[%dma_wait3A_369, %dma_wait3A_376, %dma_wait3A_377] : memref<8x64x128xf32, #tpu.memory_space<vmem>> -> memref<1x64x128xf32, #tpu.memory_space<vmem>>
      %dma_wait3A_379 = tpu.memref_squeeze %dma_wait3A_378 : memref<1x64x128xf32, #tpu.memory_space<vmem>> -> memref<64x128xf32, #tpu.memory_space<vmem>>
      %dma_wait3A_380 = arith.constant 0 : i32
      %dma_wait3A_381 = tpu.memref_slice %arg3[%dma_wait3A_380, %multiple_of3A_149] : memref<64x1000000xf32, #tpu.memory_space<hbm>> -> memref<64x128xf32, #tpu.memory_space<hbm>>
      tpu.wait_dma2 semaphore(%arg8 : memref<!tpu.dma_semaphore, #tpu.memory_space<semaphore_mem>>) src(%dma_wait3A_381 : memref<64x128xf32, #tpu.memory_space<hbm>>) dst(%dma_wait3A_379 : memref<64x128xf32, #tpu.memory_space<vmem>>)
      %dma_wait3A_382 = arith.constant 4 : i32
      %dma_wait3A_383 = arith.constant 0 : i32
      %dma_wait3A_384 = arith.constant 0 : i32
      %dma_wait3A_385 = tpu.memref_slice %arg6[%dma_wait3A_382, %dma_wait3A_383, %dma_wait3A_384] : memref<8x64x128xf32, #tpu.memory_space<vmem>> -> memref<1x64x128xf32, #tpu.memory_space<vmem>>
      %dma_wait3A_386 = tpu.memref_squeeze %dma_wait3A_385 : memref<1x64x128xf32, #tpu.memory_space<vmem>> -> memref<64x128xf32, #tpu.memory_space<vmem>>
      %dma_wait3A_387 = arith.constant 0 : i32
      %dma_wait3A_388 = tpu.memref_slice %arg3[%dma_wait3A_387, %multiple_of3A_191] : memref<64x1000000xf32, #tpu.memory_space<hbm>> -> memref<64x128xf32, #tpu.memory_space<hbm>>
      %dma_wait3A_389 = arith.constant 0 : i32
      %dma_wait3A_390 = arith.constant 0 : i32
      %dma_wait3A_391 = tpu.memref_slice %arg6[%dma_wait3A_382, %dma_wait3A_389, %dma_wait3A_390] : memref<8x64x128xf32, #tpu.memory_space<vmem>> -> memref<1x64x128xf32, #tpu.memory_space<vmem>>
      %dma_wait3A_392 = tpu.memref_squeeze %dma_wait3A_391 : memref<1x64x128xf32, #tpu.memory_space<vmem>> -> memref<64x128xf32, #tpu.memory_space<vmem>>
      %dma_wait3A_393 = arith.constant 0 : i32
      %dma_wait3A_394 = tpu.memref_slice %arg3[%dma_wait3A_393, %multiple_of3A_191] : memref<64x1000000xf32, #tpu.memory_space<hbm>> -> memref<64x128xf32, #tpu.memory_space<hbm>>
      tpu.wait_dma2 semaphore(%arg8 : memref<!tpu.dma_semaphore, #tpu.memory_space<semaphore_mem>>) src(%dma_wait3A_394 : memref<64x128xf32, #tpu.memory_space<hbm>>) dst(%dma_wait3A_392 : memref<64x128xf32, #tpu.memory_space<vmem>>)
      %dma_wait3A_395 = arith.constant 5 : i32
      %dma_wait3A_396 = arith.constant 0 : i32
      %dma_wait3A_397 = arith.constant 0 : i32
      %dma_wait3A_398 = tpu.memref_slice %arg6[%dma_wait3A_395, %dma_wait3A_396, %dma_wait3A_397] : memref<8x64x128xf32, #tpu.memory_space<vmem>> -> memref<1x64x128xf32, #tpu.memory_space<vmem>>
      %dma_wait3A_399 = tpu.memref_squeeze %dma_wait3A_398 : memref<1x64x128xf32, #tpu.memory_space<vmem>> -> memref<64x128xf32, #tpu.memory_space<vmem>>
      %dma_wait3A_400 = arith.constant 0 : i32
      %dma_wait3A_401 = tpu.memref_slice %arg3[%dma_wait3A_400, %multiple_of3A_233] : memref<64x1000000xf32, #tpu.memory_space<hbm>> -> memref<64x128xf32, #tpu.memory_space<hbm>>
      %dma_wait3A_402 = arith.constant 0 : i32
      %dma_wait3A_403 = arith.constant 0 : i32
      %dma_wait3A_404 = tpu.memref_slice %arg6[%dma_wait3A_395, %dma_wait3A_402, %dma_wait3A_403] : memref<8x64x128xf32, #tpu.memory_space<vmem>> -> memref<1x64x128xf32, #tpu.memory_space<vmem>>
      %dma_wait3A_405 = tpu.memref_squeeze %dma_wait3A_404 : memref<1x64x128xf32, #tpu.memory_space<vmem>> -> memref<64x128xf32, #tpu.memory_space<vmem>>
      %dma_wait3A_406 = arith.constant 0 : i32
      %dma_wait3A_407 = tpu.memref_slice %arg3[%dma_wait3A_406, %multiple_of3A_233] : memref<64x1000000xf32, #tpu.memory_space<hbm>> -> memref<64x128xf32, #tpu.memory_space<hbm>>
      tpu.wait_dma2 semaphore(%arg8 : memref<!tpu.dma_semaphore, #tpu.memory_space<semaphore_mem>>) src(%dma_wait3A_407 : memref<64x128xf32, #tpu.memory_space<hbm>>) dst(%dma_wait3A_405 : memref<64x128xf32, #tpu.memory_space<vmem>>)
      %dma_wait3A_408 = arith.constant 6 : i32
      %dma_wait3A_409 = arith.constant 0 : i32
      %dma_wait3A_410 = arith.constant 0 : i32
      %dma_wait3A_411 = tpu.memref_slice %arg6[%dma_wait3A_408, %dma_wait3A_409, %dma_wait3A_410] : memref<8x64x128xf32, #tpu.memory_space<vmem>> -> memref<1x64x128xf32, #tpu.memory_space<vmem>>
      %dma_wait3A_412 = tpu.memref_squeeze %dma_wait3A_411 : memref<1x64x128xf32, #tpu.memory_space<vmem>> -> memref<64x128xf32, #tpu.memory_space<vmem>>
      %dma_wait3A_413 = arith.constant 0 : i32
      %dma_wait3A_414 = tpu.memref_slice %arg3[%dma_wait3A_413, %multiple_of3A_275] : memref<64x1000000xf32, #tpu.memory_space<hbm>> -> memref<64x128xf32, #tpu.memory_space<hbm>>
      %dma_wait3A_415 = arith.constant 0 : i32
      %dma_wait3A_416 = arith.constant 0 : i32
      %dma_wait3A_417 = tpu.memref_slice %arg6[%dma_wait3A_408, %dma_wait3A_415, %dma_wait3A_416] : memref<8x64x128xf32, #tpu.memory_space<vmem>> -> memref<1x64x128xf32, #tpu.memory_space<vmem>>
      %dma_wait3A_418 = tpu.memref_squeeze %dma_wait3A_417 : memref<1x64x128xf32, #tpu.memory_space<vmem>> -> memref<64x128xf32, #tpu.memory_space<vmem>>
      %dma_wait3A_419 = arith.constant 0 : i32
      %dma_wait3A_420 = tpu.memref_slice %arg3[%dma_wait3A_419, %multiple_of3A_275] : memref<64x1000000xf32, #tpu.memory_space<hbm>> -> memref<64x128xf32, #tpu.memory_space<hbm>>
      tpu.wait_dma2 semaphore(%arg8 : memref<!tpu.dma_semaphore, #tpu.memory_space<semaphore_mem>>) src(%dma_wait3A_420 : memref<64x128xf32, #tpu.memory_space<hbm>>) dst(%dma_wait3A_418 : memref<64x128xf32, #tpu.memory_space<vmem>>)
      %dma_wait3A_421 = arith.constant 7 : i32
      %dma_wait3A_422 = arith.constant 0 : i32
      %dma_wait3A_423 = arith.constant 0 : i32
      %dma_wait3A_424 = tpu.memref_slice %arg6[%dma_wait3A_421, %dma_wait3A_422, %dma_wait3A_423] : memref<8x64x128xf32, #tpu.memory_space<vmem>> -> memref<1x64x128xf32, #tpu.memory_space<vmem>>
      %dma_wait3A_425 = tpu.memref_squeeze %dma_wait3A_424 : memref<1x64x128xf32, #tpu.memory_space<vmem>> -> memref<64x128xf32, #tpu.memory_space<vmem>>
      %dma_wait3A_426 = arith.constant 0 : i32
      %dma_wait3A_427 = tpu.memref_slice %arg3[%dma_wait3A_426, %multiple_of3A_317] : memref<64x1000000xf32, #tpu.memory_space<hbm>> -> memref<64x128xf32, #tpu.memory_space<hbm>>
      %dma_wait3A_428 = arith.constant 0 : i32
      %dma_wait3A_429 = arith.constant 0 : i32
      %dma_wait3A_430 = tpu.memref_slice %arg6[%dma_wait3A_421, %dma_wait3A_428, %dma_wait3A_429] : memref<8x64x128xf32, #tpu.memory_space<vmem>> -> memref<1x64x128xf32, #tpu.memory_space<vmem>>
      %dma_wait3A_431 = tpu.memref_squeeze %dma_wait3A_430 : memref<1x64x128xf32, #tpu.memory_space<vmem>> -> memref<64x128xf32, #tpu.memory_space<vmem>>
      %dma_wait3A_432 = arith.constant 0 : i32
      %dma_wait3A_433 = tpu.memref_slice %arg3[%dma_wait3A_432, %multiple_of3A_317] : memref<64x1000000xf32, #tpu.memory_space<hbm>> -> memref<64x128xf32, #tpu.memory_space<hbm>>
      tpu.wait_dma2 semaphore(%arg8 : memref<!tpu.dma_semaphore, #tpu.memory_space<semaphore_mem>>) src(%dma_wait3A_433 : memref<64x128xf32, #tpu.memory_space<hbm>>) dst(%dma_wait3A_431 : memref<64x128xf32, #tpu.memory_space<vmem>>)
      %slice3A_434 = vector.extract_strided_slice %get3A_5 {offsets = [0], sizes = [1], strides = [1]} : vector<16xi32> to vector<1xi32>
      %squeeze3A_435 = vector.extract %slice3A_434[0] : i32 from vector<1xi32>
      %jit3A_436 = arith.constant 128 : i32
      %eq3A = arith.constant 0 : i32
      %eq3A_437 = arith.cmpi eq, %jit3A_436, %eq3A : i32
      %jit3A_438 = arith.constant 1 : i32
      %select_n3A_439 = arith.select %eq3A_437, %jit3A_438, %jit3A_436 : i32
      %rem3A_440 = arith.remsi %squeeze3A_435, %select_n3A_439 : i32
      %ne3A_441 = arith.constant 0 : i32
      %ne3A_442 = arith.cmpi ne, %rem3A_440, %ne3A_441 : i32
      %lt3A_443 = arith.constant 0 : i32
      %lt3A_444 = arith.cmpi slt, %rem3A_440, %lt3A_443 : i32
      %lt3A_445 = arith.constant 0 : i32
      %lt3A_446 = arith.cmpi slt, %select_n3A_439, %lt3A_445 : i32
      %ne3A_447 = arith.xori %lt3A_444, %lt3A_446 : i1
      %and3A_448 = arith.andi %ne3A_447, %ne3A_442 : i1
      %add3A_449 = arith.addi %rem3A_440, %select_n3A_439 : i32
      %select_n3A_450 = arith.select %and3A_448, %add3A_449, %rem3A_440 : i32
      %broadcast_in_dim3A = vector.broadcast %select_n3A_450 : i32 to vector<16xi32>
      %broadcast_in_dim3A_451 = arith.constant 0 : i32
      %broadcast_in_dim3A_452 = vector.broadcast %broadcast_in_dim3A_451 : i32 to vector<16xi32>
      %iota3A = tpu.iota {dimensions = array<i32: 0>} : vector<16xi32>
      %add3A_453 = arith.constant 0 : i32
      %add3A_454 = vector.broadcast %add3A_453 : i32 to vector<16xi32>
      %add3A_455 = arith.addi %iota3A, %add3A_454 : vector<16xi32>
      %gather3A = tpu.vector_load_idx %arg6[%broadcast_in_dim3A_452, %add3A_455, %broadcast_in_dim3A] : memref<8x64x128xf32, #tpu.memory_space<vmem>>[vector<16xi32>, vector<16xi32>, vector<16xi32>], vector<16xf32>,
      %swap3A = arith.constant 0 : index
      %swap3A_456 = tpu.vector_load %arg7[%swap3A] {strides = array<i32>} : memref<512xf32, #tpu.memory_space<vmem>>, vector<16xf32>,
      tpu.vector_store %arg7[%swap3A], %gather3A {strides = array<i32>} : memref<512xf32, #tpu.memory_space<vmem>>, vector<16xf32>,
      %iota3A_457 = tpu.iota {dimensions = array<i32: 0>} : vector<16xi32>
      %add3A_458 = arith.constant 16 : i32
      %add3A_459 = vector.broadcast %add3A_458 : i32 to vector<16xi32>
      %add3A_460 = arith.addi %iota3A_457, %add3A_459 : vector<16xi32>
      %gather3A_461 = tpu.vector_load_idx %arg6[%broadcast_in_dim3A_452, %add3A_460, %broadcast_in_dim3A] : memref<8x64x128xf32, #tpu.memory_space<vmem>>[vector<16xi32>, vector<16xi32>, vector<16xi32>], vector<16xf32>,
      %swap3A_462 = arith.constant 16 : index
      %swap3A_463 = tpu.vector_load %arg7[%swap3A_462] {strides = array<i32>} : memref<512xf32, #tpu.memory_space<vmem>>, vector<16xf32>,
      tpu.vector_store %arg7[%swap3A_462], %gather3A_461 {strides = array<i32>} : memref<512xf32, #tpu.memory_space<vmem>>, vector<16xf32>,
      %iota3A_464 = tpu.iota {dimensions = array<i32: 0>} : vector<16xi32>
      %add3A_465 = arith.constant 32 : i32
      %add3A_466 = vector.broadcast %add3A_465 : i32 to vector<16xi32>
      %add3A_467 = arith.addi %iota3A_464, %add3A_466 : vector<16xi32>
      %gather3A_468 = tpu.vector_load_idx %arg6[%broadcast_in_dim3A_452, %add3A_467, %broadcast_in_dim3A] : memref<8x64x128xf32, #tpu.memory_space<vmem>>[vector<16xi32>, vector<16xi32>, vector<16xi32>], vector<16xf32>,
      %swap3A_469 = arith.constant 32 : index
      %swap3A_470 = tpu.vector_load %arg7[%swap3A_469] {strides = array<i32>} : memref<512xf32, #tpu.memory_space<vmem>>, vector<16xf32>,
      tpu.vector_store %arg7[%swap3A_469], %gather3A_468 {strides = array<i32>} : memref<512xf32, #tpu.memory_space<vmem>>, vector<16xf32>,
      %iota3A_471 = tpu.iota {dimensions = array<i32: 0>} : vector<16xi32>
      %add3A_472 = arith.constant 48 : i32
      %add3A_473 = vector.broadcast %add3A_472 : i32 to vector<16xi32>
      %add3A_474 = arith.addi %iota3A_471, %add3A_473 : vector<16xi32>
      %gather3A_475 = tpu.vector_load_idx %arg6[%broadcast_in_dim3A_452, %add3A_474, %broadcast_in_dim3A] : memref<8x64x128xf32, #tpu.memory_space<vmem>>[vector<16xi32>, vector<16xi32>, vector<16xi32>], vector<16xf32>,
      %swap3A_476 = arith.constant 48 : index
      %swap3A_477 = tpu.vector_load %arg7[%swap3A_476] {strides = array<i32>} : memref<512xf32, #tpu.memory_space<vmem>>, vector<16xf32>,
      tpu.vector_store %arg7[%swap3A_476], %gather3A_475 {strides = array<i32>} : memref<512xf32, #tpu.memory_space<vmem>>, vector<16xf32>,
      %slice3A_478 = vector.extract_strided_slice %get3A_5 {offsets = [1], sizes = [1], strides = [1]} : vector<16xi32> to vector<1xi32>
      %squeeze3A_479 = vector.extract %slice3A_478[0] : i32 from vector<1xi32>
      %jit3A_480 = arith.constant 128 : i32
      %eq3A_481 = arith.constant 0 : i32
      %eq3A_482 = arith.cmpi eq, %jit3A_480, %eq3A_481 : i32
      %jit3A_483 = arith.constant 1 : i32
      %select_n3A_484 = arith.select %eq3A_482, %jit3A_483, %jit3A_480 : i32
      %rem3A_485 = arith.remsi %squeeze3A_479, %select_n3A_484 : i32
      %ne3A_486 = arith.constant 0 : i32
      %ne3A_487 = arith.cmpi ne, %rem3A_485, %ne3A_486 : i32
      %lt3A_488 = arith.constant 0 : i32
      %lt3A_489 = arith.cmpi slt, %rem3A_485, %lt3A_488 : i32
      %lt3A_490 = arith.constant 0 : i32
      %lt3A_491 = arith.cmpi slt, %select_n3A_484, %lt3A_490 : i32
      %ne3A_492 = arith.xori %lt3A_489, %lt3A_491 : i1
      %and3A_493 = arith.andi %ne3A_492, %ne3A_487 : i1
      %add3A_494 = arith.addi %rem3A_485, %select_n3A_484 : i32
      %select_n3A_495 = arith.select %and3A_493, %add3A_494, %rem3A_485 : i32
      %broadcast_in_dim3A_496 = vector.broadcast %select_n3A_495 : i32 to vector<16xi32>
      %broadcast_in_dim3A_497 = arith.constant 1 : i32
      %broadcast_in_dim3A_498 = vector.broadcast %broadcast_in_dim3A_497 : i32 to vector<16xi32>
      %iota3A_499 = tpu.iota {dimensions = array<i32: 0>} : vector<16xi32>
      %add3A_500 = arith.constant 0 : i32
      %add3A_501 = vector.broadcast %add3A_500 : i32 to vector<16xi32>
      %add3A_502 = arith.addi %iota3A_499, %add3A_501 : vector<16xi32>
      %gather3A_503 = tpu.vector_load_idx %arg6[%broadcast_in_dim3A_498, %add3A_502, %broadcast_in_dim3A_496] : memref<8x64x128xf32, #tpu.memory_space<vmem>>[vector<16xi32>, vector<16xi32>, vector<16xi32>], vector<16xf32>,
      %swap3A_504 = arith.constant 64 : index
      %swap3A_505 = tpu.vector_load %arg7[%swap3A_504] {strides = array<i32>} : memref<512xf32, #tpu.memory_space<vmem>>, vector<16xf32>,
      tpu.vector_store %arg7[%swap3A_504], %gather3A_503 {strides = array<i32>} : memref<512xf32, #tpu.memory_space<vmem>>, vector<16xf32>,
      %iota3A_506 = tpu.iota {dimensions = array<i32: 0>} : vector<16xi32>
      %add3A_507 = arith.constant 16 : i32
      %add3A_508 = vector.broadcast %add3A_507 : i32 to vector<16xi32>
      %add3A_509 = arith.addi %iota3A_506, %add3A_508 : vector<16xi32>
      %gather3A_510 = tpu.vector_load_idx %arg6[%broadcast_in_dim3A_498, %add3A_509, %broadcast_in_dim3A_496] : memref<8x64x128xf32, #tpu.memory_space<vmem>>[vector<16xi32>, vector<16xi32>, vector<16xi32>], vector<16xf32>,
      %swap3A_511 = arith.constant 80 : index
      %swap3A_512 = tpu.vector_load %arg7[%swap3A_511] {strides = array<i32>} : memref<512xf32, #tpu.memory_space<vmem>>, vector<16xf32>,
      tpu.vector_store %arg7[%swap3A_511], %gather3A_510 {strides = array<i32>} : memref<512xf32, #tpu.memory_space<vmem>>, vector<16xf32>,
      %iota3A_513 = tpu.iota {dimensions = array<i32: 0>} : vector<16xi32>
      %add3A_514 = arith.constant 32 : i32
      %add3A_515 = vector.broadcast %add3A_514 : i32 to vector<16xi32>
      %add3A_516 = arith.addi %iota3A_513, %add3A_515 : vector<16xi32>
      %gather3A_517 = tpu.vector_load_idx %arg6[%broadcast_in_dim3A_498, %add3A_516, %broadcast_in_dim3A_496] : memref<8x64x128xf32, #tpu.memory_space<vmem>>[vector<16xi32>, vector<16xi32>, vector<16xi32>], vector<16xf32>,
      %swap3A_518 = arith.constant 96 : index
      %swap3A_519 = tpu.vector_load %arg7[%swap3A_518] {strides = array<i32>} : memref<512xf32, #tpu.memory_space<vmem>>, vector<16xf32>,
      tpu.vector_store %arg7[%swap3A_518], %gather3A_517 {strides = array<i32>} : memref<512xf32, #tpu.memory_space<vmem>>, vector<16xf32>,
      %iota3A_520 = tpu.iota {dimensions = array<i32: 0>} : vector<16xi32>
      %add3A_521 = arith.constant 48 : i32
      %add3A_522 = vector.broadcast %add3A_521 : i32 to vector<16xi32>
      %add3A_523 = arith.addi %iota3A_520, %add3A_522 : vector<16xi32>
      %gather3A_524 = tpu.vector_load_idx %arg6[%broadcast_in_dim3A_498, %add3A_523, %broadcast_in_dim3A_496] : memref<8x64x128xf32, #tpu.memory_space<vmem>>[vector<16xi32>, vector<16xi32>, vector<16xi32>], vector<16xf32>,
      %swap3A_525 = arith.constant 112 : index
      %swap3A_526 = tpu.vector_load %arg7[%swap3A_525] {strides = array<i32>} : memref<512xf32, #tpu.memory_space<vmem>>, vector<16xf32>,
      tpu.vector_store %arg7[%swap3A_525], %gather3A_524 {strides = array<i32>} : memref<512xf32, #tpu.memory_space<vmem>>, vector<16xf32>,
      %slice3A_527 = vector.extract_strided_slice %get3A_5 {offsets = [2], sizes = [1], strides = [1]} : vector<16xi32> to vector<1xi32>
      %squeeze3A_528 = vector.extract %slice3A_527[0] : i32 from vector<1xi32>
      %jit3A_529 = arith.constant 128 : i32
      %eq3A_530 = arith.constant 0 : i32
      %eq3A_531 = arith.cmpi eq, %jit3A_529, %eq3A_530 : i32
      %jit3A_532 = arith.constant 1 : i32
      %select_n3A_533 = arith.select %eq3A_531, %jit3A_532, %jit3A_529 : i32
      %rem3A_534 = arith.remsi %squeeze3A_528, %select_n3A_533 : i32
      %ne3A_535 = arith.constant 0 : i32
      %ne3A_536 = arith.cmpi ne, %rem3A_534, %ne3A_535 : i32
      %lt3A_537 = arith.constant 0 : i32
      %lt3A_538 = arith.cmpi slt, %rem3A_534, %lt3A_537 : i32
      %lt3A_539 = arith.constant 0 : i32
      %lt3A_540 = arith.cmpi slt, %select_n3A_533, %lt3A_539 : i32
      %ne3A_541 = arith.xori %lt3A_538, %lt3A_540 : i1
      %and3A_542 = arith.andi %ne3A_541, %ne3A_536 : i1
      %add3A_543 = arith.addi %rem3A_534, %select_n3A_533 : i32
      %select_n3A_544 = arith.select %and3A_542, %add3A_543, %rem3A_534 : i32
      %broadcast_in_dim3A_545 = vector.broadcast %select_n3A_544 : i32 to vector<16xi32>
      %broadcast_in_dim3A_546 = arith.constant 2 : i32
      %broadcast_in_dim3A_547 = vector.broadcast %broadcast_in_dim3A_546 : i32 to vector<16xi32>
      %iota3A_548 = tpu.iota {dimensions = array<i32: 0>} : vector<16xi32>
      %add3A_549 = arith.constant 0 : i32
      %add3A_550 = vector.broadcast %add3A_549 : i32 to vector<16xi32>
      %add3A_551 = arith.addi %iota3A_548, %add3A_550 : vector<16xi32>
      %gather3A_552 = tpu.vector_load_idx %arg6[%broadcast_in_dim3A_547, %add3A_551, %broadcast_in_dim3A_545] : memref<8x64x128xf32, #tpu.memory_space<vmem>>[vector<16xi32>, vector<16xi32>, vector<16xi32>], vector<16xf32>,
      %swap3A_553 = arith.constant 128 : index
      %swap3A_554 = tpu.vector_load %arg7[%swap3A_553] {strides = array<i32>} : memref<512xf32, #tpu.memory_space<vmem>>, vector<16xf32>,
      tpu.vector_store %arg7[%swap3A_553], %gather3A_552 {strides = array<i32>} : memref<512xf32, #tpu.memory_space<vmem>>, vector<16xf32>,
      %iota3A_555 = tpu.iota {dimensions = array<i32: 0>} : vector<16xi32>
      %add3A_556 = arith.constant 16 : i32
      %add3A_557 = vector.broadcast %add3A_556 : i32 to vector<16xi32>
      %add3A_558 = arith.addi %iota3A_555, %add3A_557 : vector<16xi32>
      %gather3A_559 = tpu.vector_load_idx %arg6[%broadcast_in_dim3A_547, %add3A_558, %broadcast_in_dim3A_545] : memref<8x64x128xf32, #tpu.memory_space<vmem>>[vector<16xi32>, vector<16xi32>, vector<16xi32>], vector<16xf32>,
      %swap3A_560 = arith.constant 144 : index
      %swap3A_561 = tpu.vector_load %arg7[%swap3A_560] {strides = array<i32>} : memref<512xf32, #tpu.memory_space<vmem>>, vector<16xf32>,
      tpu.vector_store %arg7[%swap3A_560], %gather3A_559 {strides = array<i32>} : memref<512xf32, #tpu.memory_space<vmem>>, vector<16xf32>,
      %iota3A_562 = tpu.iota {dimensions = array<i32: 0>} : vector<16xi32>
      %add3A_563 = arith.constant 32 : i32
      %add3A_564 = vector.broadcast %add3A_563 : i32 to vector<16xi32>
      %add3A_565 = arith.addi %iota3A_562, %add3A_564 : vector<16xi32>
      %gather3A_566 = tpu.vector_load_idx %arg6[%broadcast_in_dim3A_547, %add3A_565, %broadcast_in_dim3A_545] : memref<8x64x128xf32, #tpu.memory_space<vmem>>[vector<16xi32>, vector<16xi32>, vector<16xi32>], vector<16xf32>,
      %swap3A_567 = arith.constant 160 : index
      %swap3A_568 = tpu.vector_load %arg7[%swap3A_567] {strides = array<i32>} : memref<512xf32, #tpu.memory_space<vmem>>, vector<16xf32>,
      tpu.vector_store %arg7[%swap3A_567], %gather3A_566 {strides = array<i32>} : memref<512xf32, #tpu.memory_space<vmem>>, vector<16xf32>,
      %iota3A_569 = tpu.iota {dimensions = array<i32: 0>} : vector<16xi32>
      %add3A_570 = arith.constant 48 : i32
      %add3A_571 = vector.broadcast %add3A_570 : i32 to vector<16xi32>
      %add3A_572 = arith.addi %iota3A_569, %add3A_571 : vector<16xi32>
      %gather3A_573 = tpu.vector_load_idx %arg6[%broadcast_in_dim3A_547, %add3A_572, %broadcast_in_dim3A_545] : memref<8x64x128xf32, #tpu.memory_space<vmem>>[vector<16xi32>, vector<16xi32>, vector<16xi32>], vector<16xf32>,
      %swap3A_574 = arith.constant 176 : index
      %swap3A_575 = tpu.vector_load %arg7[%swap3A_574] {strides = array<i32>} : memref<512xf32, #tpu.memory_space<vmem>>, vector<16xf32>,
      tpu.vector_store %arg7[%swap3A_574], %gather3A_573 {strides = array<i32>} : memref<512xf32, #tpu.memory_space<vmem>>, vector<16xf32>,
      %slice3A_576 = vector.extract_strided_slice %get3A_5 {offsets = [3], sizes = [1], strides = [1]} : vector<16xi32> to vector<1xi32>
      %squeeze3A_577 = vector.extract %slice3A_576[0] : i32 from vector<1xi32>
      %jit3A_578 = arith.constant 128 : i32
      %eq3A_579 = arith.constant 0 : i32
      %eq3A_580 = arith.cmpi eq, %jit3A_578, %eq3A_579 : i32
      %jit3A_581 = arith.constant 1 : i32
      %select_n3A_582 = arith.select %eq3A_580, %jit3A_581, %jit3A_578 : i32
      %rem3A_583 = arith.remsi %squeeze3A_577, %select_n3A_582 : i32
      %ne3A_584 = arith.constant 0 : i32
      %ne3A_585 = arith.cmpi ne, %rem3A_583, %ne3A_584 : i32
      %lt3A_586 = arith.constant 0 : i32
      %lt3A_587 = arith.cmpi slt, %rem3A_583, %lt3A_586 : i32
      %lt3A_588 = arith.constant 0 : i32
      %lt3A_589 = arith.cmpi slt, %select_n3A_582, %lt3A_588 : i32
      %ne3A_590 = arith.xori %lt3A_587, %lt3A_589 : i1
      %and3A_591 = arith.andi %ne3A_590, %ne3A_585 : i1
      %add3A_592 = arith.addi %rem3A_583, %select_n3A_582 : i32
      %select_n3A_593 = arith.select %and3A_591, %add3A_592, %rem3A_583 : i32
      %broadcast_in_dim3A_594 = vector.broadcast %select_n3A_593 : i32 to vector<16xi32>
      %broadcast_in_dim3A_595 = arith.constant 3 : i32
      %broadcast_in_dim3A_596 = vector.broadcast %broadcast_in_dim3A_595 : i32 to vector<16xi32>
      %iota3A_597 = tpu.iota {dimensions = array<i32: 0>} : vector<16xi32>
      %add3A_598 = arith.constant 0 : i32
      %add3A_599 = vector.broadcast %add3A_598 : i32 to vector<16xi32>
      %add3A_600 = arith.addi %iota3A_597, %add3A_599 : vector<16xi32>
      %gather3A_601 = tpu.vector_load_idx %arg6[%broadcast_in_dim3A_596, %add3A_600, %broadcast_in_dim3A_594] : memref<8x64x128xf32, #tpu.memory_space<vmem>>[vector<16xi32>, vector<16xi32>, vector<16xi32>], vector<16xf32>,
      %swap3A_602 = arith.constant 192 : index
      %swap3A_603 = tpu.vector_load %arg7[%swap3A_602] {strides = array<i32>} : memref<512xf32, #tpu.memory_space<vmem>>, vector<16xf32>,
      tpu.vector_store %arg7[%swap3A_602], %gather3A_601 {strides = array<i32>} : memref<512xf32, #tpu.memory_space<vmem>>, vector<16xf32>,
      %iota3A_604 = tpu.iota {dimensions = array<i32: 0>} : vector<16xi32>
      %add3A_605 = arith.constant 16 : i32
      %add3A_606 = vector.broadcast %add3A_605 : i32 to vector<16xi32>
      %add3A_607 = arith.addi %iota3A_604, %add3A_606 : vector<16xi32>
      %gather3A_608 = tpu.vector_load_idx %arg6[%broadcast_in_dim3A_596, %add3A_607, %broadcast_in_dim3A_594] : memref<8x64x128xf32, #tpu.memory_space<vmem>>[vector<16xi32>, vector<16xi32>, vector<16xi32>], vector<16xf32>,
      %swap3A_609 = arith.constant 208 : index
      %swap3A_610 = tpu.vector_load %arg7[%swap3A_609] {strides = array<i32>} : memref<512xf32, #tpu.memory_space<vmem>>, vector<16xf32>,
      tpu.vector_store %arg7[%swap3A_609], %gather3A_608 {strides = array<i32>} : memref<512xf32, #tpu.memory_space<vmem>>, vector<16xf32>,
      %iota3A_611 = tpu.iota {dimensions = array<i32: 0>} : vector<16xi32>
      %add3A_612 = arith.constant 32 : i32
      %add3A_613 = vector.broadcast %add3A_612 : i32 to vector<16xi32>
      %add3A_614 = arith.addi %iota3A_611, %add3A_613 : vector<16xi32>
      %gather3A_615 = tpu.vector_load_idx %arg6[%broadcast_in_dim3A_596, %add3A_614, %broadcast_in_dim3A_594] : memref<8x64x128xf32, #tpu.memory_space<vmem>>[vector<16xi32>, vector<16xi32>, vector<16xi32>], vector<16xf32>,
      %swap3A_616 = arith.constant 224 : index
      %swap3A_617 = tpu.vector_load %arg7[%swap3A_616] {strides = array<i32>} : memref<512xf32, #tpu.memory_space<vmem>>, vector<16xf32>,
      tpu.vector_store %arg7[%swap3A_616], %gather3A_615 {strides = array<i32>} : memref<512xf32, #tpu.memory_space<vmem>>, vector<16xf32>,
      %iota3A_618 = tpu.iota {dimensions = array<i32: 0>} : vector<16xi32>
      %add3A_619 = arith.constant 48 : i32
      %add3A_620 = vector.broadcast %add3A_619 : i32 to vector<16xi32>
      %add3A_621 = arith.addi %iota3A_618, %add3A_620 : vector<16xi32>
      %gather3A_622 = tpu.vector_load_idx %arg6[%broadcast_in_dim3A_596, %add3A_621, %broadcast_in_dim3A_594] : memref<8x64x128xf32, #tpu.memory_space<vmem>>[vector<16xi32>, vector<16xi32>, vector<16xi32>], vector<16xf32>,
      %swap3A_623 = arith.constant 240 : index
      %swap3A_624 = tpu.vector_load %arg7[%swap3A_623] {strides = array<i32>} : memref<512xf32, #tpu.memory_space<vmem>>, vector<16xf32>,
      tpu.vector_store %arg7[%swap3A_623], %gather3A_622 {strides = array<i32>} : memref<512xf32, #tpu.memory_space<vmem>>, vector<16xf32>,
      %slice3A_625 = vector.extract_strided_slice %get3A_5 {offsets = [4], sizes = [1], strides = [1]} : vector<16xi32> to vector<1xi32>
      %squeeze3A_626 = vector.extract %slice3A_625[0] : i32 from vector<1xi32>
      %jit3A_627 = arith.constant 128 : i32
      %eq3A_628 = arith.constant 0 : i32
      %eq3A_629 = arith.cmpi eq, %jit3A_627, %eq3A_628 : i32
      %jit3A_630 = arith.constant 1 : i32
      %select_n3A_631 = arith.select %eq3A_629, %jit3A_630, %jit3A_627 : i32
      %rem3A_632 = arith.remsi %squeeze3A_626, %select_n3A_631 : i32
      %ne3A_633 = arith.constant 0 : i32
      %ne3A_634 = arith.cmpi ne, %rem3A_632, %ne3A_633 : i32
      %lt3A_635 = arith.constant 0 : i32
      %lt3A_636 = arith.cmpi slt, %rem3A_632, %lt3A_635 : i32
      %lt3A_637 = arith.constant 0 : i32
      %lt3A_638 = arith.cmpi slt, %select_n3A_631, %lt3A_637 : i32
      %ne3A_639 = arith.xori %lt3A_636, %lt3A_638 : i1
      %and3A_640 = arith.andi %ne3A_639, %ne3A_634 : i1
      %add3A_641 = arith.addi %rem3A_632, %select_n3A_631 : i32
      %select_n3A_642 = arith.select %and3A_640, %add3A_641, %rem3A_632 : i32
      %broadcast_in_dim3A_643 = vector.broadcast %select_n3A_642 : i32 to vector<16xi32>
      %broadcast_in_dim3A_644 = arith.constant 4 : i32
      %broadcast_in_dim3A_645 = vector.broadcast %broadcast_in_dim3A_644 : i32 to vector<16xi32>
      %iota3A_646 = tpu.iota {dimensions = array<i32: 0>} : vector<16xi32>
      %add3A_647 = arith.constant 0 : i32
      %add3A_648 = vector.broadcast %add3A_647 : i32 to vector<16xi32>
      %add3A_649 = arith.addi %iota3A_646, %add3A_648 : vector<16xi32>
      %gather3A_650 = tpu.vector_load_idx %arg6[%broadcast_in_dim3A_645, %add3A_649, %broadcast_in_dim3A_643] : memref<8x64x128xf32, #tpu.memory_space<vmem>>[vector<16xi32>, vector<16xi32>, vector<16xi32>], vector<16xf32>,
      %swap3A_651 = arith.constant 256 : index
      %swap3A_652 = tpu.vector_load %arg7[%swap3A_651] {strides = array<i32>} : memref<512xf32, #tpu.memory_space<vmem>>, vector<16xf32>,
      tpu.vector_store %arg7[%swap3A_651], %gather3A_650 {strides = array<i32>} : memref<512xf32, #tpu.memory_space<vmem>>, vector<16xf32>,
      %iota3A_653 = tpu.iota {dimensions = array<i32: 0>} : vector<16xi32>
      %add3A_654 = arith.constant 16 : i32
      %add3A_655 = vector.broadcast %add3A_654 : i32 to vector<16xi32>
      %add3A_656 = arith.addi %iota3A_653, %add3A_655 : vector<16xi32>
      %gather3A_657 = tpu.vector_load_idx %arg6[%broadcast_in_dim3A_645, %add3A_656, %broadcast_in_dim3A_643] : memref<8x64x128xf32, #tpu.memory_space<vmem>>[vector<16xi32>, vector<16xi32>, vector<16xi32>], vector<16xf32>,
      %swap3A_658 = arith.constant 272 : index
      %swap3A_659 = tpu.vector_load %arg7[%swap3A_658] {strides = array<i32>} : memref<512xf32, #tpu.memory_space<vmem>>, vector<16xf32>,
      tpu.vector_store %arg7[%swap3A_658], %gather3A_657 {strides = array<i32>} : memref<512xf32, #tpu.memory_space<vmem>>, vector<16xf32>,
      %iota3A_660 = tpu.iota {dimensions = array<i32: 0>} : vector<16xi32>
      %add3A_661 = arith.constant 32 : i32
      %add3A_662 = vector.broadcast %add3A_661 : i32 to vector<16xi32>
      %add3A_663 = arith.addi %iota3A_660, %add3A_662 : vector<16xi32>
      %gather3A_664 = tpu.vector_load_idx %arg6[%broadcast_in_dim3A_645, %add3A_663, %broadcast_in_dim3A_643] : memref<8x64x128xf32, #tpu.memory_space<vmem>>[vector<16xi32>, vector<16xi32>, vector<16xi32>], vector<16xf32>,
      %swap3A_665 = arith.constant 288 : index
      %swap3A_666 = tpu.vector_load %arg7[%swap3A_665] {strides = array<i32>} : memref<512xf32, #tpu.memory_space<vmem>>, vector<16xf32>,
      tpu.vector_store %arg7[%swap3A_665], %gather3A_664 {strides = array<i32>} : memref<512xf32, #tpu.memory_space<vmem>>, vector<16xf32>,
      %iota3A_667 = tpu.iota {dimensions = array<i32: 0>} : vector<16xi32>
      %add3A_668 = arith.constant 48 : i32
      %add3A_669 = vector.broadcast %add3A_668 : i32 to vector<16xi32>
      %add3A_670 = arith.addi %iota3A_667, %add3A_669 : vector<16xi32>
      %gather3A_671 = tpu.vector_load_idx %arg6[%broadcast_in_dim3A_645, %add3A_670, %broadcast_in_dim3A_643] : memref<8x64x128xf32, #tpu.memory_space<vmem>>[vector<16xi32>, vector<16xi32>, vector<16xi32>], vector<16xf32>,
      %swap3A_672 = arith.constant 304 : index
      %swap3A_673 = tpu.vector_load %arg7[%swap3A_672] {strides = array<i32>} : memref<512xf32, #tpu.memory_space<vmem>>, vector<16xf32>,
      tpu.vector_store %arg7[%swap3A_672], %gather3A_671 {strides = array<i32>} : memref<512xf32, #tpu.memory_space<vmem>>, vector<16xf32>,
      %slice3A_674 = vector.extract_strided_slice %get3A_5 {offsets = [5], sizes = [1], strides = [1]} : vector<16xi32> to vector<1xi32>
      %squeeze3A_675 = vector.extract %slice3A_674[0] : i32 from vector<1xi32>
      %jit3A_676 = arith.constant 128 : i32
      %eq3A_677 = arith.constant 0 : i32
      %eq3A_678 = arith.cmpi eq, %jit3A_676, %eq3A_677 : i32
      %jit3A_679 = arith.constant 1 : i32
      %select_n3A_680 = arith.select %eq3A_678, %jit3A_679, %jit3A_676 : i32
      %rem3A_681 = arith.remsi %squeeze3A_675, %select_n3A_680 : i32
      %ne3A_682 = arith.constant 0 : i32
      %ne3A_683 = arith.cmpi ne, %rem3A_681, %ne3A_682 : i32
      %lt3A_684 = arith.constant 0 : i32
      %lt3A_685 = arith.cmpi slt, %rem3A_681, %lt3A_684 : i32
      %lt3A_686 = arith.constant 0 : i32
      %lt3A_687 = arith.cmpi slt, %select_n3A_680, %lt3A_686 : i32
      %ne3A_688 = arith.xori %lt3A_685, %lt3A_687 : i1
      %and3A_689 = arith.andi %ne3A_688, %ne3A_683 : i1
      %add3A_690 = arith.addi %rem3A_681, %select_n3A_680 : i32
      %select_n3A_691 = arith.select %and3A_689, %add3A_690, %rem3A_681 : i32
      %broadcast_in_dim3A_692 = vector.broadcast %select_n3A_691 : i32 to vector<16xi32>
      %broadcast_in_dim3A_693 = arith.constant 5 : i32
      %broadcast_in_dim3A_694 = vector.broadcast %broadcast_in_dim3A_693 : i32 to vector<16xi32>
      %iota3A_695 = tpu.iota {dimensions = array<i32: 0>} : vector<16xi32>
      %add3A_696 = arith.constant 0 : i32
      %add3A_697 = vector.broadcast %add3A_696 : i32 to vector<16xi32>
      %add3A_698 = arith.addi %iota3A_695, %add3A_697 : vector<16xi32>
      %gather3A_699 = tpu.vector_load_idx %arg6[%broadcast_in_dim3A_694, %add3A_698, %broadcast_in_dim3A_692] : memref<8x64x128xf32, #tpu.memory_space<vmem>>[vector<16xi32>, vector<16xi32>, vector<16xi32>], vector<16xf32>,
      %swap3A_700 = arith.constant 320 : index
      %swap3A_701 = tpu.vector_load %arg7[%swap3A_700] {strides = array<i32>} : memref<512xf32, #tpu.memory_space<vmem>>, vector<16xf32>,
      tpu.vector_store %arg7[%swap3A_700], %gather3A_699 {strides = array<i32>} : memref<512xf32, #tpu.memory_space<vmem>>, vector<16xf32>,
      %iota3A_702 = tpu.iota {dimensions = array<i32: 0>} : vector<16xi32>
      %add3A_703 = arith.constant 16 : i32
      %add3A_704 = vector.broadcast %add3A_703 : i32 to vector<16xi32>
      %add3A_705 = arith.addi %iota3A_702, %add3A_704 : vector<16xi32>
      %gather3A_706 = tpu.vector_load_idx %arg6[%broadcast_in_dim3A_694, %add3A_705, %broadcast_in_dim3A_692] : memref<8x64x128xf32, #tpu.memory_space<vmem>>[vector<16xi32>, vector<16xi32>, vector<16xi32>], vector<16xf32>,
      %swap3A_707 = arith.constant 336 : index
      %swap3A_708 = tpu.vector_load %arg7[%swap3A_707] {strides = array<i32>} : memref<512xf32, #tpu.memory_space<vmem>>, vector<16xf32>,
      tpu.vector_store %arg7[%swap3A_707], %gather3A_706 {strides = array<i32>} : memref<512xf32, #tpu.memory_space<vmem>>, vector<16xf32>,
      %iota3A_709 = tpu.iota {dimensions = array<i32: 0>} : vector<16xi32>
      %add3A_710 = arith.constant 32 : i32
      %add3A_711 = vector.broadcast %add3A_710 : i32 to vector<16xi32>
      %add3A_712 = arith.addi %iota3A_709, %add3A_711 : vector<16xi32>
      %gather3A_713 = tpu.vector_load_idx %arg6[%broadcast_in_dim3A_694, %add3A_712, %broadcast_in_dim3A_692] : memref<8x64x128xf32, #tpu.memory_space<vmem>>[vector<16xi32>, vector<16xi32>, vector<16xi32>], vector<16xf32>,
      %swap3A_714 = arith.constant 352 : index
      %swap3A_715 = tpu.vector_load %arg7[%swap3A_714] {strides = array<i32>} : memref<512xf32, #tpu.memory_space<vmem>>, vector<16xf32>,
      tpu.vector_store %arg7[%swap3A_714], %gather3A_713 {strides = array<i32>} : memref<512xf32, #tpu.memory_space<vmem>>, vector<16xf32>,
      %iota3A_716 = tpu.iota {dimensions = array<i32: 0>} : vector<16xi32>
      %add3A_717 = arith.constant 48 : i32
      %add3A_718 = vector.broadcast %add3A_717 : i32 to vector<16xi32>
      %add3A_719 = arith.addi %iota3A_716, %add3A_718 : vector<16xi32>
      %gather3A_720 = tpu.vector_load_idx %arg6[%broadcast_in_dim3A_694, %add3A_719, %broadcast_in_dim3A_692] : memref<8x64x128xf32, #tpu.memory_space<vmem>>[vector<16xi32>, vector<16xi32>, vector<16xi32>], vector<16xf32>,
      %swap3A_721 = arith.constant 368 : index
      %swap3A_722 = tpu.vector_load %arg7[%swap3A_721] {strides = array<i32>} : memref<512xf32, #tpu.memory_space<vmem>>, vector<16xf32>,
      tpu.vector_store %arg7[%swap3A_721], %gather3A_720 {strides = array<i32>} : memref<512xf32, #tpu.memory_space<vmem>>, vector<16xf32>,
      %slice3A_723 = vector.extract_strided_slice %get3A_5 {offsets = [6], sizes = [1], strides = [1]} : vector<16xi32> to vector<1xi32>
      %squeeze3A_724 = vector.extract %slice3A_723[0] : i32 from vector<1xi32>
      %jit3A_725 = arith.constant 128 : i32
      %eq3A_726 = arith.constant 0 : i32
      %eq3A_727 = arith.cmpi eq, %jit3A_725, %eq3A_726 : i32
      %jit3A_728 = arith.constant 1 : i32
      %select_n3A_729 = arith.select %eq3A_727, %jit3A_728, %jit3A_725 : i32
      %rem3A_730 = arith.remsi %squeeze3A_724, %select_n3A_729 : i32
      %ne3A_731 = arith.constant 0 : i32
      %ne3A_732 = arith.cmpi ne, %rem3A_730, %ne3A_731 : i32
      %lt3A_733 = arith.constant 0 : i32
      %lt3A_734 = arith.cmpi slt, %rem3A_730, %lt3A_733 : i32
      %lt3A_735 = arith.constant 0 : i32
      %lt3A_736 = arith.cmpi slt, %select_n3A_729, %lt3A_735 : i32
      %ne3A_737 = arith.xori %lt3A_734, %lt3A_736 : i1
      %and3A_738 = arith.andi %ne3A_737, %ne3A_732 : i1
      %add3A_739 = arith.addi %rem3A_730, %select_n3A_729 : i32
      %select_n3A_740 = arith.select %and3A_738, %add3A_739, %rem3A_730 : i32
      %broadcast_in_dim3A_741 = vector.broadcast %select_n3A_740 : i32 to vector<16xi32>
      %broadcast_in_dim3A_742 = arith.constant 6 : i32
      %broadcast_in_dim3A_743 = vector.broadcast %broadcast_in_dim3A_742 : i32 to vector<16xi32>
      %iota3A_744 = tpu.iota {dimensions = array<i32: 0>} : vector<16xi32>
      %add3A_745 = arith.constant 0 : i32
      %add3A_746 = vector.broadcast %add3A_745 : i32 to vector<16xi32>
      %add3A_747 = arith.addi %iota3A_744, %add3A_746 : vector<16xi32>
      %gather3A_748 = tpu.vector_load_idx %arg6[%broadcast_in_dim3A_743, %add3A_747, %broadcast_in_dim3A_741] : memref<8x64x128xf32, #tpu.memory_space<vmem>>[vector<16xi32>, vector<16xi32>, vector<16xi32>], vector<16xf32>,
      %swap3A_749 = arith.constant 384 : index
      %swap3A_750 = tpu.vector_load %arg7[%swap3A_749] {strides = array<i32>} : memref<512xf32, #tpu.memory_space<vmem>>, vector<16xf32>,
      tpu.vector_store %arg7[%swap3A_749], %gather3A_748 {strides = array<i32>} : memref<512xf32, #tpu.memory_space<vmem>>, vector<16xf32>,
      %iota3A_751 = tpu.iota {dimensions = array<i32: 0>} : vector<16xi32>
      %add3A_752 = arith.constant 16 : i32
      %add3A_753 = vector.broadcast %add3A_752 : i32 to vector<16xi32>
      %add3A_754 = arith.addi %iota3A_751, %add3A_753 : vector<16xi32>
      %gather3A_755 = tpu.vector_load_idx %arg6[%broadcast_in_dim3A_743, %add3A_754, %broadcast_in_dim3A_741] : memref<8x64x128xf32, #tpu.memory_space<vmem>>[vector<16xi32>, vector<16xi32>, vector<16xi32>], vector<16xf32>,
      %swap3A_756 = arith.constant 400 : index
      %swap3A_757 = tpu.vector_load %arg7[%swap3A_756] {strides = array<i32>} : memref<512xf32, #tpu.memory_space<vmem>>, vector<16xf32>,
      tpu.vector_store %arg7[%swap3A_756], %gather3A_755 {strides = array<i32>} : memref<512xf32, #tpu.memory_space<vmem>>, vector<16xf32>,
      %iota3A_758 = tpu.iota {dimensions = array<i32: 0>} : vector<16xi32>
      %add3A_759 = arith.constant 32 : i32
      %add3A_760 = vector.broadcast %add3A_759 : i32 to vector<16xi32>
      %add3A_761 = arith.addi %iota3A_758, %add3A_760 : vector<16xi32>
      %gather3A_762 = tpu.vector_load_idx %arg6[%broadcast_in_dim3A_743, %add3A_761, %broadcast_in_dim3A_741] : memref<8x64x128xf32, #tpu.memory_space<vmem>>[vector<16xi32>, vector<16xi32>, vector<16xi32>], vector<16xf32>,
      %swap3A_763 = arith.constant 416 : index
      %swap3A_764 = tpu.vector_load %arg7[%swap3A_763] {strides = array<i32>} : memref<512xf32, #tpu.memory_space<vmem>>, vector<16xf32>,
      tpu.vector_store %arg7[%swap3A_763], %gather3A_762 {strides = array<i32>} : memref<512xf32, #tpu.memory_space<vmem>>, vector<16xf32>,
      %iota3A_765 = tpu.iota {dimensions = array<i32: 0>} : vector<16xi32>
      %add3A_766 = arith.constant 48 : i32
      %add3A_767 = vector.broadcast %add3A_766 : i32 to vector<16xi32>
      %add3A_768 = arith.addi %iota3A_765, %add3A_767 : vector<16xi32>
      %gather3A_769 = tpu.vector_load_idx %arg6[%broadcast_in_dim3A_743, %add3A_768, %broadcast_in_dim3A_741] : memref<8x64x128xf32, #tpu.memory_space<vmem>>[vector<16xi32>, vector<16xi32>, vector<16xi32>], vector<16xf32>,
      %swap3A_770 = arith.constant 432 : index
      %swap3A_771 = tpu.vector_load %arg7[%swap3A_770] {strides = array<i32>} : memref<512xf32, #tpu.memory_space<vmem>>, vector<16xf32>,
      tpu.vector_store %arg7[%swap3A_770], %gather3A_769 {strides = array<i32>} : memref<512xf32, #tpu.memory_space<vmem>>, vector<16xf32>,
      %slice3A_772 = vector.extract_strided_slice %get3A_5 {offsets = [7], sizes = [1], strides = [1]} : vector<16xi32> to vector<1xi32>
      %squeeze3A_773 = vector.extract %slice3A_772[0] : i32 from vector<1xi32>
      %jit3A_774 = arith.constant 128 : i32
      %eq3A_775 = arith.constant 0 : i32
      %eq3A_776 = arith.cmpi eq, %jit3A_774, %eq3A_775 : i32
      %jit3A_777 = arith.constant 1 : i32
      %select_n3A_778 = arith.select %eq3A_776, %jit3A_777, %jit3A_774 : i32
      %rem3A_779 = arith.remsi %squeeze3A_773, %select_n3A_778 : i32
      %ne3A_780 = arith.constant 0 : i32
      %ne3A_781 = arith.cmpi ne, %rem3A_779, %ne3A_780 : i32
      %lt3A_782 = arith.constant 0 : i32
      %lt3A_783 = arith.cmpi slt, %rem3A_779, %lt3A_782 : i32
      %lt3A_784 = arith.constant 0 : i32
      %lt3A_785 = arith.cmpi slt, %select_n3A_778, %lt3A_784 : i32
      %ne3A_786 = arith.xori %lt3A_783, %lt3A_785 : i1
      %and3A_787 = arith.andi %ne3A_786, %ne3A_781 : i1
      %add3A_788 = arith.addi %rem3A_779, %select_n3A_778 : i32
      %select_n3A_789 = arith.select %and3A_787, %add3A_788, %rem3A_779 : i32
      %broadcast_in_dim3A_790 = vector.broadcast %select_n3A_789 : i32 to vector<16xi32>
      %broadcast_in_dim3A_791 = arith.constant 7 : i32
      %broadcast_in_dim3A_792 = vector.broadcast %broadcast_in_dim3A_791 : i32 to vector<16xi32>
      %iota3A_793 = tpu.iota {dimensions = array<i32: 0>} : vector<16xi32>
      %add3A_794 = arith.constant 0 : i32
      %add3A_795 = vector.broadcast %add3A_794 : i32 to vector<16xi32>
      %add3A_796 = arith.addi %iota3A_793, %add3A_795 : vector<16xi32>
      %gather3A_797 = tpu.vector_load_idx %arg6[%broadcast_in_dim3A_792, %add3A_796, %broadcast_in_dim3A_790] : memref<8x64x128xf32, #tpu.memory_space<vmem>>[vector<16xi32>, vector<16xi32>, vector<16xi32>], vector<16xf32>,
      %swap3A_798 = arith.constant 448 : index
      %swap3A_799 = tpu.vector_load %arg7[%swap3A_798] {strides = array<i32>} : memref<512xf32, #tpu.memory_space<vmem>>, vector<16xf32>,
      tpu.vector_store %arg7[%swap3A_798], %gather3A_797 {strides = array<i32>} : memref<512xf32, #tpu.memory_space<vmem>>, vector<16xf32>,
      %iota3A_800 = tpu.iota {dimensions = array<i32: 0>} : vector<16xi32>
      %add3A_801 = arith.constant 16 : i32
      %add3A_802 = vector.broadcast %add3A_801 : i32 to vector<16xi32>
      %add3A_803 = arith.addi %iota3A_800, %add3A_802 : vector<16xi32>
      %gather3A_804 = tpu.vector_load_idx %arg6[%broadcast_in_dim3A_792, %add3A_803, %broadcast_in_dim3A_790] : memref<8x64x128xf32, #tpu.memory_space<vmem>>[vector<16xi32>, vector<16xi32>, vector<16xi32>], vector<16xf32>,
      %swap3A_805 = arith.constant 464 : index
      %swap3A_806 = tpu.vector_load %arg7[%swap3A_805] {strides = array<i32>} : memref<512xf32, #tpu.memory_space<vmem>>, vector<16xf32>,
      tpu.vector_store %arg7[%swap3A_805], %gather3A_804 {strides = array<i32>} : memref<512xf32, #tpu.memory_space<vmem>>, vector<16xf32>,
      %iota3A_807 = tpu.iota {dimensions = array<i32: 0>} : vector<16xi32>
      %add3A_808 = arith.constant 32 : i32
      %add3A_809 = vector.broadcast %add3A_808 : i32 to vector<16xi32>
      %add3A_810 = arith.addi %iota3A_807, %add3A_809 : vector<16xi32>
      %gather3A_811 = tpu.vector_load_idx %arg6[%broadcast_in_dim3A_792, %add3A_810, %broadcast_in_dim3A_790] : memref<8x64x128xf32, #tpu.memory_space<vmem>>[vector<16xi32>, vector<16xi32>, vector<16xi32>], vector<16xf32>,
      %swap3A_812 = arith.constant 480 : index
      %swap3A_813 = tpu.vector_load %arg7[%swap3A_812] {strides = array<i32>} : memref<512xf32, #tpu.memory_space<vmem>>, vector<16xf32>,
      tpu.vector_store %arg7[%swap3A_812], %gather3A_811 {strides = array<i32>} : memref<512xf32, #tpu.memory_space<vmem>>, vector<16xf32>,
      %iota3A_814 = tpu.iota {dimensions = array<i32: 0>} : vector<16xi32>
      %add3A_815 = arith.constant 48 : i32
      %add3A_816 = vector.broadcast %add3A_815 : i32 to vector<16xi32>
      %add3A_817 = arith.addi %iota3A_814, %add3A_816 : vector<16xi32>
      %gather3A_818 = tpu.vector_load_idx %arg6[%broadcast_in_dim3A_792, %add3A_817, %broadcast_in_dim3A_790] : memref<8x64x128xf32, #tpu.memory_space<vmem>>[vector<16xi32>, vector<16xi32>, vector<16xi32>], vector<16xf32>,
      %swap3A_819 = arith.constant 496 : index
      %swap3A_820 = tpu.vector_load %arg7[%swap3A_819] {strides = array<i32>} : memref<512xf32, #tpu.memory_space<vmem>>, vector<16xf32>,
      tpu.vector_store %arg7[%swap3A_819], %gather3A_818 {strides = array<i32>} : memref<512xf32, #tpu.memory_space<vmem>>, vector<16xf32>,
      %mul3A_821 = arith.constant 64 : i32
      %mul3A_822 = arith.muli %multiple_of3A, %mul3A_821 : i32
      %run_scoped3A = arith.constant 0 : i32
      "tpu.region"() ({
        %run_scoped3A_823 = tpu.sem_alloc : memref<!tpu.dma_semaphore, #tpu.memory_space<semaphore_mem>>
        %dma_start3A_824 = tpu.memref_slice %arg4[%run_scoped3A, %mul3A_822] : memref<1x12800xf32, #tpu.memory_space<hbm>> -> memref<1x512xf32, #tpu.memory_space<hbm>>
        %dma_start3A_825 = tpu.memref_squeeze %dma_start3A_824 : memref<1x512xf32, #tpu.memory_space<hbm>> -> memref<512xf32, #tpu.memory_space<hbm>>
        %dma_start3A_826 = tpu.memref_slice %arg4[%run_scoped3A, %mul3A_822] : memref<1x12800xf32, #tpu.memory_space<hbm>> -> memref<1x512xf32, #tpu.memory_space<hbm>>
        %dma_start3A_827 = tpu.memref_squeeze %dma_start3A_826 : memref<1x512xf32, #tpu.memory_space<hbm>> -> memref<512xf32, #tpu.memory_space<hbm>>
        tpu.enqueue_dma source(%arg7 : memref<512xf32, #tpu.memory_space<vmem>>) target(%dma_start3A_827 : memref<512xf32, #tpu.memory_space<hbm>>) target_semaphore(%run_scoped3A_823 : memref<!tpu.dma_semaphore, #tpu.memory_space<semaphore_mem>>)
        %dma_wait3A_828 = tpu.memref_slice %arg4[%run_scoped3A, %mul3A_822] : memref<1x12800xf32, #tpu.memory_space<hbm>> -> memref<1x512xf32, #tpu.memory_space<hbm>>
        %dma_wait3A_829 = tpu.memref_squeeze %dma_wait3A_828 : memref<1x512xf32, #tpu.memory_space<hbm>> -> memref<512xf32, #tpu.memory_space<hbm>>
        %dma_wait3A_830 = tpu.memref_slice %arg4[%run_scoped3A, %mul3A_822] : memref<1x12800xf32, #tpu.memory_space<hbm>> -> memref<1x512xf32, #tpu.memory_space<hbm>>
        %dma_wait3A_831 = tpu.memref_squeeze %dma_wait3A_830 : memref<1x512xf32, #tpu.memory_space<hbm>> -> memref<512xf32, #tpu.memory_space<hbm>>
        tpu.wait_dma2 semaphore(%run_scoped3A_823 : memref<!tpu.dma_semaphore, #tpu.memory_space<semaphore_mem>>) src(%arg7 : memref<512xf32, #tpu.memory_space<vmem>>) dst(%dma_wait3A_831 : memref<512xf32, #tpu.memory_space<hbm>>)
        tpu.yield
      }) : () -> ()
    } else {
    }
    return
  }
}

</mosaic_0001>

<sc_bundles>
// kernel: kernel.3.cloned.1.call-start
scs
__scs_entry_jumppad:
0x0: {  	(pc) =	sbr.rel $0x88, $3  }
0x1: {  	(tag) =	ssettag $0x0;
	lr =	simm.s32 $0x1  }
0x2: {  	[smem:$0x3F9F] =	sst lr;
	_ =	strace $0xD0000000  }
0x3: {  	_ = 	snop  }
0x4: {  	_ = 	snop  }
0x5: {  	_ = 	snop  }
0x6: {  	_ = 	snop  }
0x7: {  	_ = 	snop  }
__scs_overlays_trampoline_lowered:
0x8: {  	[smem:$0x3FAE] =	sst s0  }
0x9: {  	[smem:$0x3FAF] =	sst s1  }
0xa: {  	[smem:$0x3FB0] =	sst s2  }
0xb: {  	[smem:$0x3FB1] =	sst s3  }
0xc: {  	[smem:$0x3FB2] =	sst s4  }
0xd: {  	[smem:$0x3FB3] =	sst s5  }
0xe: {  	[smem:$0x3FB4] =	sst s6  }
0xf: {  	[smem:$0x3FB5] =	sst s7  }
0x10: {  	[smem:$0x3FB6] =	sst s8  }
0x11: {  	[smem:$0x3FB7] =	sst s9;
	s0 =	simm.s32 @!p0 $0x0  }
0x12: {  	s1 =	sld [smem:$0x3F9D];
	s0 =	simm.s32 @p0 $0x1  }
0x13: {  	[smem:$0x3FB8] =	sst s0;
	s0 =	simm.s32 @!p1 $0x0  }
0x14: {  	s2 =	sld [smem:$0x3F9C];
	s0 =	simm.s32 @p1 $0x1  }
0x15: {  	[smem:$0x3FB9] =	sst s0;
	s0 =	simm.s32 @!p2 $0x0  }
0x16: {  	s3 =	sld [smem:$0x3FDB];
	s0 =	simm.s32 @p2 $0x1  }
0x17: {  	s4 =	simm.s32 $0x1BF5;
	[smem:$0x3FBB] =	sst s0  }
0x18: {  	s0 =	sld [smem:$0x3F9E];
	_ =	swait.ge [sflag:s4], $0x0  }
0x19: {  	s7 =	sld [smem:$0x3F9F]  }
0x1a: {  	s8 =	sadd.s32 $0xFFFFE003, lr  }
0x1b: {  	s9 =	sadd.s32 $0xFFFFFEF7, lr;
	s5 =	simm.s32 $0xFFFFFFFF;
	p2 =	slt.u32 s8, $0xFFFFF086  }
0x1c: {  	p1 =	slt.u32 s9, $0xF7A;
	s5 =	simm.s32 @!p2 $0x0  }
0x1d: {  	s5 =	simm.s32 @p1 $0x1;
	p0 =	seq.s32 s7, s2  }
0x1e: {  	s7 =	smul.u32 @!p0 $0xF7A, s2;
	p2 =	seq.s32 @!p0 s5, $0x0  }
0x1f: {  	s9 =	smul.u32 $0xF7A, s1;
	s8 =	simm.s32 @!p0 $0x1BF5;
	p2 =	por !p2, p0  }
0x20: {  	[sflag:s8] =	ssyncset.s32 @!p0 $0xFFFFF086;
	s6 =	sadd.s32 @!p0 s3, s7;
	s7 =	simm.s32 @!p0 $0x108  }
0x21: {  	s3 =	sadd.s32 s3, s9;
	s6 =	sadd.s32 @!p0 $0x88, s6;
	s7 =	simm.s32 @p2 $0x1082  }
0x22: {  	[simem:s7], [sflag:s8] =	dma.local @!p0 [hbm:s6], $0xF7A  }
0x23: {  	s9 =	sor.u32 $0xD0000000, s2;
	s6 =	simm.s32 $0x108;
	_ =	swait.ge @!p0 [sflag:s8], $0x0  }
0x24: {  	s3 =	sadd.s32 $0x88, s3;
	s6 =	simm.s32 @!p1 $0x1082;
	[sflag:s4] =	ssyncset.s32 $0xFFFFF086  }
0x25: {  	[simem:s6], [sflag:s4] =	dma.local [hbm:s3], $0xF7A  }
0x26: {  	[smem:$0x3F9F] =	sst s1;
	(tag) =	ssettag s2;
	_ =	strace s9  }
0x27: {  	s1 =	sld [smem:$0x3FAF]  }
0x28: {  	s2 =	sld [smem:$0x3FB0]  }
0x29: {  	s4 =	sld [smem:$0x3FB2]  }
0x2a: {  	p0 =	seq.s32 s5, $0x0;
	s5 =	sld [smem:$0x3FB3]  }
0x2b: {  	s6 =	sld [smem:$0x3FB4]  }
0x2c: {  	s7 =	sld [smem:$0x3FB5]  }
0x2d: {  	s3 =	simm.s32 $0x108;
	s8 =	sld [smem:$0x3FB6]  }
0x2e: {  	s3 =	simm.s32 @!p0 $0x1082;
	s9 =	sld [smem:$0x3FB7]  }
0x2f: {  	lr =	sadd.s32 s0, s3;
	s0 =	sld [smem:$0x3FAE]  }
0x30: {  	s3 =	sld [smem:$0x3FB1]  }
0x31: {  	[smem:$0x3FBA] =	sst s10  }
0x32: {  	s10 =	sld [smem:$0x3FB8];
	_ =	sdelay $0x3  }
0x33: {  	p0 =	seq.s32 s10, $0x1;
	s10 =	sld [smem:$0x3FBA];
	_ =	sdelay $0x3  }
0x34: {  	[smem:$0x3FBA] =	sst s10  }
0x35: {  	s10 =	sld [smem:$0x3FB9];
	_ =	sdelay $0x3  }
0x36: {  	p1 =	seq.s32 s10, $0x1;
	s10 =	sld [smem:$0x3FBA];
	_ =	sdelay $0x3  }
0x37: {  	[smem:$0x3FBA] =	sst s10  }
0x38: {  	s10 =	sld [smem:$0x3FBB]  }
0x39: {  	_ = 	snop;
	(pc) =	sbr.ind lr, $3  }
0x3a: {  	_ = 	snop  }
0x3b: {  	_ = 	snop  }
0x3c: {  	p2 =	seq.s32 s10, $0x1;
	s10 =	sld [smem:$0x3FBA]  }
0x3d: {  	_ =	shalt  }
0x3e: {  	_ =	shalt  }
0x3f: {  	_ =	shalt  }
0x40: {  	_ =	shalt  }
0x41: {  	_ =	shalt  }
0x42: {  	_ =	shalt  }
0x43: {  	_ =	shalt  }
0x44: {  	_ =	shalt  }
0x45: {  	_ =	shalt  }
0x46: {  	_ =	shalt  }
0x47: {  	_ =	shalt  }
0x48: {  	_ =	shalt  }
0x49: {  	_ =	shalt  }
0x4a: {  	_ =	shalt  }
0x4b: {  	_ =	shalt  }
0x4c: {  	_ =	shalt  }
0x4d: {  	_ =	shalt  }
0x4e: {  	_ =	shalt  }
0x4f: {  	_ =	shalt  }
0x50: {  	_ =	shalt  }
0x51: {  	_ =	shalt  }
0x52: {  	_ =	shalt  }
0x53: {  	_ =	shalt  }
0x54: {  	_ =	shalt  }
0x55: {  	_ =	shalt  }
0x56: {  	_ =	shalt  }
0x57: {  	_ =	shalt  }
0x58: {  	_ =	shalt  }
0x59: {  	_ =	shalt  }
0x5a: {  	_ =	shalt  }
0x5b: {  	_ =	shalt  }
0x5c: {  	_ =	shalt  }
0x5d: {  	_ =	shalt  }
0x5e: {  	_ =	shalt  }
0x5f: {  	_ =	shalt  }
0x60: {  	_ =	shalt  }
0x61: {  	_ =	shalt  }
0x62: {  	_ =	shalt  }
0x63: {  	_ =	shalt  }
0x64: {  	_ =	shalt  }
0x65: {  	_ =	shalt  }
0x66: {  	_ =	shalt  }
0x67: {  	_ =	shalt  }
0x68: {  	_ =	shalt  }
0x69: {  	_ =	shalt  }
0x6a: {  	_ =	shalt  }
0x6b: {  	_ =	shalt  }
0x6c: {  	_ =	shalt  }
0x6d: {  	_ =	shalt  }
0x6e: {  	_ =	shalt  }
0x6f: {  	_ =	shalt  }
0x70: {  	_ =	shalt  }
0x71: {  	_ =	shalt  }
0x72: {  	_ =	shalt  }
0x73: {  	_ =	shalt  }
0x74: {  	_ =	shalt  }
0x75: {  	_ =	shalt  }
0x76: {  	_ =	shalt  }
0x77: {  	_ =	shalt  }
0x78: {  	_ =	shalt  }
0x79: {  	_ =	shalt  }
0x7a: {  	_ =	shalt  }
0x7b: {  	_ =	shalt  }
0x7c: {  	_ =	shalt  }
0x7d: {  	_ =	shalt  }
0x7e: {  	_ =	shalt  }
0x7f: {  	_ =	shalt  }
0x80: {  	_ =	shalt  }
0x81: {  	_ =	shalt  }
0x82: {  	_ =	shalt  }
0x83: {  	_ =	shalt  }
0x84: {  	_ =	shalt  }
0x85: {  	_ =	shalt  }
0x86: {  	_ =	shalt  }
0x87: {  	_ =	shalt  }
.Lfunc_end0:
.L_simem_size_0:
called_computation_lowered:
.L_overlay_start_0:
0x88: {  	s2 =	sld [smem:$0x3FD9]  }
0x89: {  	s3 =	sld [smem:$0x3FFE];
	_ =	sdelay $0x1  }
0x8a: {  	s1 =	srdreg.scid  }
0x8b: {  	s0 =	sand.u32 $0x1, s1  }
0x8c: {  	s18 =	sshll.u32 s0, $0xA;
	s2 =	sadd.s32 s3, s2  }
0x8d: {  	s2 =	sadd.s32 s2, s18  }
0x8e: {  	[smem:$0x3FC6] =	sst s2  }
0x8f: {  	_ = 	snop  }
0x90: {  	s2 =	sld [smem:$0x3FC9]  }
0x91: {  	s19 =	sld [smem:$0x3FC8]  }
0x92: {  	s4 =	sld [smem:$0x3FD0];
	(tm) =	ssettm $0x1  }
0x93: {  	s5 =	sld [smem:$0x3FFB];
	_ =	sdelay $0x3  }
0x94: {  	_ =	strace s5  }
0x95: {  	s5 =	sld [smem:$0x3FFC];
	_ =	sdelay $0x3  }
0x96: {  	_ =	strace s5  }
0x97: {  	s5 =	sld [smem:$0x3FFD];
	_ =	sdelay $0x3  }
0x98: {  	_ =	strace s5  }
0x99: {  	_ =	strace $0x8FFFFFFF  }
0x9a: {  	s20 =	sld [smem:$0x3FDB];
	_ =	sdelay $0x1  }
0x9b: {  	s6 =	simm.s32 $_scs_section_size  }
0x9c: {  	s7 =	simm.s32 $_size__tile_overlayer_lowered;
	s8 =	simm.s32 $_tile_overlayer_lowered  }
0x9d: {  	s23 =	simm.s32 $0x1BFF;
	s22 =	sshll.u32 s8, $0x1;
	s5 =	sadd.s32 s6, s20  }
0x9e: {  	s9 =	simm.s32 $0x0;
	s21 =	sshll.u32 s7, $0x1;
	s7 =	sadd.s32 s22, s5  }
0x9f: {  	[timem:s9], [sflag:s23] =	dma.local [hbm:s7], s21  }
0xa0: {  	_ =	swait.ge [sflag:s23], s21  }
0xa1: {  	s6 =	ssub.s32 $0x0, s21;
	[sflag:s23] =	ssyncset.done $0x0  }
0xa2: {  	[sflag:s23] =	ssyncadd.s32 s6;
	_ =	sdelay $0x1  }
0xa3: {  	s24 =	simm.s32 $0x1B8B  }
0xa4: {  	_ =	swait.ge [sflag:s24], $0x1  }
0xa5: {  	[sflag:s24] =	ssyncset.done $0x0  }
0xa6: {  	s25 =	simm.s32 $0x1B8E;
	[sflag:s24] =	ssyncadd.s32 $0xFFFFFFFF  }
0xa7: {  	s26 =	simm.s32 $execute0_lowered;
	[smem:$0x3FD2] =	sst s25  }
0xa8: {  	s6 =	sshll.u32 s26, $0x1;
	_ =	strace $0x80000046;
	[dreg:$0x1] =	wrdreg $0xFFFFFFFF  }
0xa9: {  	s28 =	simm.s32 $_size_execute0_lowered;
	s5 =	sadd.s32 s5, s6;
	[dreg:$0x0] =	wrdreg $0x0  }
0xaa: {  	s6 =	sshll.u32 s28, $0x1;
	[dreg:$0x2] =	wrdreg s5  }
0xab: {  	[dreg:$0x3] =	wrdreg s6  }
0xac: {  	[dreg:$0x4] =	wrdreg $0xC0  }
0xad: {  	_ =	task [dreg:s9], $0x5FFFF  }
0xae: {  	[dreg:$0x1] =	wrdreg $0xFFFFFFFF  }
0xaf: {  	[dreg:$0x0] =	wrdreg $0x60  }
0xb0: {  	[dreg:$0x2] =	wrdreg s2  }
0xb1: {  	[dreg:$0x3] =	wrdreg s19  }
0xb2: {  	[dreg:$0x4] =	wrdreg s4  }
0xb3: {  	[dreg:$0x5] =	wrdreg $0x9  }
0xb4: {  	_ =	task.clear_ibuf [dreg:s9], $0x6FFFF;
	_ =	strace $0x90000046  }
0xb5: {  	s29 =	simm.s32 $0x9;
	_ =	strace $0x80000048  }
0xb6: {  	_ =	swait.ge [sflag:s29], $0x1  }
0xb7: {  	[sflag:s29] =	ssyncadd.s32 $0xFFFFFFFF  }
0xb8: {  	_ =	strace $0x90000048  }
0xb9: {  	_ =	sfence  }
0xba: {  	s30 =	sld [smem:$0x0];
	_ =	sdelay $0x2  }
0xbb: {  	s31 =	sshll.u32 s1, $0xD;
	s1 =	sshrl.u32 s1, $0x2  }
0xbc: {  	s3 =	sand.u32 $0x4000, s31;
	s1 =	sadd.s32 s1, s30  }
0xbd: {  	s0 =	sor.u32 s3, s0;
	s1 =	sshll.u32 s1, $0x11  }
0xbe: {  	s0 =	sor.u32 s1, s0  }
0xbf: {  	s0 =	sadd.s32 $0x8F2B, s0  }
0xc0: {  	[sflag:s0] =	ssyncadd.remote.s32 $0x1  }
0xc1: {  	_ =	sfence.sel $0xFFFF  }
0xc2: {  	[dreg:$0x0] =	wrdreg $0xFFFFFFFF;
	(pc) =	sbr.abs _section_cstart, $3  }
0xc3: {  	[dreg:$0x1] =	wrdreg $0xFFFFFFFF  }
0xc4: {  	_ =	task.clear_ibuf [dreg:s9], $0x2FFFF;
	_ =	strace $0x9FFFFFFF  }
0xc5: {  	(tm) =	ssettm $0x7FFFFFFF  }
tec
execute0_lowered:
.L_overlay_start_1:
0x0: {  	(tag) =	ssettag $0x1  }
0x1: {  	s1 =	srdreg.scid;
	s0 =	stileid.u32  }
0x2: {  	s4 =	sand.u32 $0x1, s1;
	s7 =	sshll.u32 s0, $0x1  }
0x3: {  	s7 =	sor.u32 s4, s7  }
0x4: {  	p0 =	sgt.u32 s7, $0x18  }
.Ltmp0:
0x5: {  	s5 =	rddreg [dreg:$0x0];
	(pc) =	sbr.rel @p0 .LBB2_3-.Ltmp0, $4  }
0x6: {  	s2 =	rddreg [dreg:$0x1]  }
0x7: {  	s6 =	rddreg [dreg:$0x2];
	s3 =	simm.s32 $0x0  }
0x8: {  	[smem:$0x7FF] =	sst s3  }
0x9: {  	s1 =	rddreg [dreg:$0x3];
	_ =	strace $0x80000047  }
0xa: {  	v0 =	vlaneseq.u32  }
0xb: {  	v0 =	vmul.u32 $0x80, v0;
	_ =	sdelay $0x1  }
0xc: {  	s5 =	sadd.s32 s5, s7;
	v1 =	vor.u32 $0x800, v0  }
0xd: {  	s23 =	simm.s32 $0x2080;
	[dreg:$0x5] =	wrdreg s5;
	v2 =	vor.u32 $0x1000, v0;
	v3 =	vor.u32 $0x1800, v0;
	v4 =	vor.u32 $0x2000, v0  }
0xe: {  	s8 =	sshll.u32 s7, $0x6;
	s24 =	simm.s32 $0x4080;
	[dreg:$0x6] =	wrdreg s23;
	v5 =	vor.u32 $0x2800, v0;
	v6 =	vor.u32 $0x3000, v0;
	v7 =	vor.u32 $0x3800, v0  }
0xf: {  	s4 =	ssub.s32 $0x2, s4;
	s26 =	simm.s32 $0x6080;
	[dreg:$0x7] =	wrdreg s24;
	v8 =	vor.u32 $0x4000, v0;
	v9 =	vor.u32 $0x4800, v0;
	v10 =	vor.u32 $0x5000, v0  }
0x10: {  	s28 =	simm.s32 $0x8080;
	s29 =	simm.s32 $0xA080;
	[dreg:$0x8] =	wrdreg s26;
	v11 =	vor.u32 $0x5800, v0;
	v12 =	vor.u32 $0x6000, v0;
	v13 =	vor.u32 $0x6800, v0  }
0x11: {  	s30 =	simm.s32 $0xC080;
	s31 =	simm.s32 $0xE080;
	[dreg:$0x9] =	wrdreg s28;
	v14 =	vor.u32 $0x7000, v0;
	v15 =	vor.u32 $0x7800, v0;
	v16 =	vor.u32 $0x8000, v0  }
0x12: {  	s7 =	simm.s32 $0x400;
	s10 =	simm.s32 $0x10080;
	[dreg:$0xa] =	wrdreg s29;
	v17 =	vor.u32 $0x8800, v0;
	v18 =	vor.u32 $0x9000, v0;
	v19 =	vor.u32 $0x9800, v0  }
0x13: {  	s9 =	simm.s32 $0x80;
	s6 =	sadd.s32 s6, s8;
	[dreg:$0xb] =	wrdreg s30;
	v20 =	vor.u32 $0xA000, v0;
	v21 =	vor.u32 $0xA800, v0;
	v22 =	vor.u32 $0xB000, v0  }
0x14: {  	s25 =	sshrl.u32 s4, $0x1;
	s5 =	simm.s32 $0x2;
	[dreg:$0xc] =	wrdreg s31;
	v23 =	vor.u32 $0xB800, v0;
	v24 =	vor.u32 $0xC000, v0;
	v25 =	vor.u32 $0xC800, v0  }
0x15: {  	s8 =	simm.s32 $0x7A1400;
	[dreg:$0xd] =	wrdreg s10;
	s4 =	ssub.s32 s4, s25;
	v26 =	vor.u32 $0xD000, v0;
	v27 =	vor.u32 $0xD800, v0;
	v28 =	vor.u32 $0xE000, v0  }
0x16: {  	[dreg:$0x4] =	wrdreg s6;
	s6 =	simm.s32 $0x1;
	s4 =	smax.u32 s4, $0x1;
	v29 =	vor.u32 $0xE800, v0;
	v30 =	vor.u32 $0xF000, v0;
	v31 =	vor.u32 $0xF800, v0  }
.LBB2_2:
0x17: {  	s10 =	rddreg [dreg:$0x5]  }
0x18: {  	[tilespmem:s3], [sflag:$0x2] =	stream.linear.gather [hbm4b:s10+s3], $0x8, $0x38;
	[tilespmem:$0x10280] =	vst v63  }
0x19: {  	_ =	swait.ge [sflag:s5], $0x8  }
0x1a: {  	[sflag:s5] =	ssyncset.done $0x0  }
0x1b: {  	[sflag:s5] =	ssyncadd.s32 $0xFFFFFFF8  }
0x1c: {  	v32 =	vld [tilespmem:$0x0];
	_ =	sdelay $0x4  }
0x1d: {  	(v2sf) =	vpush v32, $0x0;
	_ =	sdelay $0xd  }
0x1e: {  	(v2sf) =	vpush v32, $0x1  }
0x1f: {  	s10 =	spop (v2sf)  }
0x20: {  	s11 =	sshra.s32 s10, $0x1F  }
0x21: {  	s11 =	sshrl.u32 s11, $0x19  }
0x22: {  	s11 =	sadd.s32 s11, s10  }
0x23: {  	s12 =	sand.u32 $0xFFFFFF80, s11  }
0x24: {  	p0 =	slt.s32 s10, $0x1;
	p1 =	sne.s32 s10, s12  }
0x25: {  	p0 =	por !p0, !p1  }
0x26: {  	s12 =	simm.s32 $0x1;
	p0 =	por !p0, !p0  }
0x27: {  	s11 =	sshrl.u32 s11, $0x7;
	s12 =	simm.s32 @!p0 $0x0  }
0x28: {  	s11 =	ssub.s32 s11, s12  }
0x29: {  	s11 =	sshll.u32 s11, $0x7  }
0x2a: {  	s11 =	sand.u32 $0x1FFFFF80, s11  }
0x2b: {  	s11 =	sadd.s32 s2, s11  }
0x2c: {  	(v2sf) =	vpush v32, $0x2;
	[tilespmem:s9], [sflag:$0x1] =	stream.strided.gather [hbm4b:s11+s7], $0x2000, s8, s7, $0x38;
	[tilespmem:$0x10280] =	vst v63  }
0x2d: {  	s11 =	spop (v2sf)  }
0x2e: {  	s16 =	sshra.s32 s11, $0x1F  }
0x2f: {  	s12 =	sshrl.u32 s16, $0x19  }
0x30: {  	s12 =	sadd.s32 s12, s11  }
0x31: {  	s13 =	sand.u32 $0xFFFFFF80, s12  }
0x32: {  	p5 =	slt.s32 s11, $0x1;
	p6 =	sne.s32 s11, s13  }
0x33: {  	p0 =	por !p5, !p6  }
0x34: {  	s13 =	simm.s32 $0x1;
	p0 =	por !p0, !p0  }
0x35: {  	s12 =	sshrl.u32 s12, $0x7;
	s13 =	simm.s32 @!p0 $0x0  }
0x36: {  	s12 =	ssub.s32 s12, s13  }
0x37: {  	s12 =	sshll.u32 s12, $0x7  }
0x38: {  	s12 =	sand.u32 $0x1FFFFF80, s12  }
0x39: {  	s17 =	rddreg [dreg:$0x6];
	s12 =	sadd.s32 s2, s12  }
0x3a: {  	(v2sf) =	vpush v32, $0x3;
	[tilespmem:s17], [sflag:$0x1] =	stream.strided.gather [hbm4b:s12+s7], $0x2000, s8, s7, $0x38;
	[tilespmem:$0x10280] =	vst v63  }
0x3b: {  	s12 =	spop (v2sf)  }
0x3c: {  	s18 =	sshra.s32 s12, $0x1F  }
0x3d: {  	s13 =	sshrl.u32 s18, $0x19  }
0x3e: {  	s13 =	sadd.s32 s13, s12  }
0x3f: {  	s14 =	sand.u32 $0xFFFFFF80, s13  }
0x40: {  	p1 =	slt.s32 s12, $0x1;
	p2 =	sne.s32 s12, s14  }
0x41: {  	p0 =	por !p1, !p2  }
0x42: {  	s14 =	simm.s32 $0x1;
	p0 =	por !p0, !p0  }
0x43: {  	s13 =	sshrl.u32 s13, $0x7;
	s14 =	simm.s32 @!p0 $0x0  }
0x44: {  	s13 =	ssub.s32 s13, s14  }
0x45: {  	s13 =	sshll.u32 s13, $0x7  }
0x46: {  	s13 =	sand.u32 $0x1FFFFF80, s13  }
0x47: {  	s19 =	rddreg [dreg:$0x7];
	s13 =	sadd.s32 s2, s13  }
0x48: {  	(v2sf) =	vpush v32, $0x4;
	[tilespmem:s19], [sflag:$0x1] =	stream.strided.gather [hbm4b:s13+s7], $0x2000, s8, s7, $0x38;
	[tilespmem:$0x10280] =	vst v63  }
0x49: {  	s13 =	spop (v2sf)  }
0x4a: {  	s20 =	sshra.s32 s13, $0x1F  }
0x4b: {  	s14 =	sshrl.u32 s20, $0x19  }
0x4c: {  	s14 =	sadd.s32 s14, s13  }
0x4d: {  	s15 =	sand.u32 $0xFFFFFF80, s14  }
0x4e: {  	p3 =	slt.s32 s13, $0x1;
	p4 =	sne.s32 s13, s15  }
0x4f: {  	p0 =	por !p3, !p4  }
0x50: {  	s15 =	simm.s32 $0x1;
	p0 =	por !p0, !p0  }
0x51: {  	s14 =	sshrl.u32 s14, $0x7;
	s15 =	simm.s32 @!p0 $0x0  }
0x52: {  	s14 =	ssub.s32 s14, s15  }
0x53: {  	(v2sf) =	vpush v32, $0x5;
	s14 =	sshll.u32 s14, $0x7  }
0x54: {  	s14 =	sand.u32 $0x1FFFFF80, s14  }
0x55: {  	s21 =	rddreg [dreg:$0x8];
	s14 =	sadd.s32 s2, s14  }
0x56: {  	[tilespmem:s21], [sflag:$0x1] =	stream.strided.gather [hbm4b:s14+s7], $0x2000, s8, s7, $0x38;
	[tilespmem:$0x10280] =	vst v63  }
0x57: {  	s14 =	spop (v2sf)  }
0x58: {  	s22 =	sshra.s32 s14, $0x1F  }
0x59: {  	s15 =	sshrl.u32 s22, $0x19  }
0x5a: {  	s15 =	sadd.s32 s15, s14  }
0x5b: {  	s16 =	sand.u32 $0xFFFFFF80, s15  }
0x5c: {  	p5 =	slt.s32 s14, $0x1;
	p6 =	sne.s32 s14, s16  }
0x5d: {  	p0 =	por !p5, !p6  }
0x5e: {  	s16 =	simm.s32 $0x1;
	p0 =	por !p0, !p0  }
0x5f: {  	s15 =	sshrl.u32 s15, $0x7;
	s16 =	simm.s32 @!p0 $0x0  }
0x60: {  	(v2sf) =	vpush v32, $0x6;
	s15 =	ssub.s32 s15, s16  }
0x61: {  	s15 =	sshll.u32 s15, $0x7  }
0x62: {  	s17 =	sand.u32 $0x1FFFFF80, s15;
	s15 =	spop (v2sf)  }
0x63: {  	s23 =	rddreg [dreg:$0x9];
	s17 =	sadd.s32 s2, s17;
	s24 =	sshra.s32 s15, $0x1F  }
0x64: {  	[tilespmem:s23], [sflag:$0x1] =	stream.strided.gather [hbm4b:s17+s7], $0x2000, s8, s7, $0x38;
	[tilespmem:$0x10280] =	vst v63  }
0x65: {  	s16 =	sshrl.u32 s24, $0x19  }
0x66: {  	s16 =	sadd.s32 s16, s15  }
0x67: {  	s25 =	sand.u32 $0xFFFFFF80, s16  }
0x68: {  	p1 =	slt.s32 s15, $0x1;
	p2 =	sne.s32 s15, s25  }
0x69: {  	p0 =	por !p1, !p2  }
0x6a: {  	s17 =	simm.s32 $0x1;
	p0 =	por !p0, !p0  }
0x6b: {  	s16 =	sshrl.u32 s16, $0x7;
	s17 =	simm.s32 @!p0 $0x0  }
0x6c: {  	s16 =	ssub.s32 s16, s17  }
0x6d: {  	s16 =	sshll.u32 s16, $0x7  }
0x6e: {  	s16 =	sand.u32 $0x1FFFFF80, s16  }
0x6f: {  	s26 =	rddreg [dreg:$0xa];
	s18 =	sadd.s32 s2, s16;
	s16 =	spop (v2sf);
	(v2sf) =	vpush v32, $0x7  }
0x70: {  	[tilespmem:s26], [sflag:$0x1] =	stream.strided.gather [hbm4b:s18+s7], $0x2000, s8, s7, $0x38;
	[tilespmem:$0x10280] =	vst v63  }
0x71: {  	s28 =	sshra.s32 s16, $0x1F  }
0x72: {  	s17 =	sshrl.u32 s28, $0x19  }
0x73: {  	s17 =	sadd.s32 s17, s16  }
0x74: {  	s29 =	sand.u32 $0xFFFFFF80, s17  }
0x75: {  	p3 =	slt.s32 s16, $0x1;
	p4 =	sne.s32 s16, s29  }
0x76: {  	p0 =	por !p3, !p4  }
0x77: {  	s18 =	simm.s32 $0x1;
	p0 =	por !p0, !p0  }
0x78: {  	s17 =	sshrl.u32 s17, $0x7;
	s18 =	simm.s32 @!p0 $0x0  }
0x79: {  	s17 =	ssub.s32 s17, s18  }
0x7a: {  	s17 =	sshll.u32 s17, $0x7  }
0x7b: {  	s17 =	sand.u32 $0x1FFFFF80, s17  }
0x7c: {  	s30 =	rddreg [dreg:$0xb];
	s17 =	sadd.s32 s2, s17  }
0x7d: {  	[tilespmem:s30], [sflag:$0x1] =	stream.strided.gather [hbm4b:s17+s7], $0x2000, s8, s7, $0x38;
	[tilespmem:$0x10280] =	vst v63  }
0x7e: {  	s31 =	spop (v2sf)  }
0x7f: {  	s20 =	sshra.s32 s31, $0x1F  }
0x80: {  	s18 =	sshrl.u32 s20, $0x19  }
0x81: {  	s18 =	sadd.s32 s18, s31  }
0x82: {  	s19 =	sand.u32 $0xFFFFFF80, s18  }
0x83: {  	p5 =	slt.s32 s31, $0x1;
	p6 =	sne.s32 s31, s19  }
0x84: {  	p0 =	por !p5, !p6  }
0x85: {  	s19 =	simm.s32 $0x1;
	p0 =	por !p0, !p0  }
0x86: {  	s18 =	sshrl.u32 s18, $0x7;
	s19 =	simm.s32 @!p0 $0x0  }
0x87: {  	s18 =	ssub.s32 s18, s19  }
0x88: {  	s18 =	sshll.u32 s18, $0x7  }
0x89: {  	s18 =	sand.u32 $0x1FFFFF80, s18  }
0x8a: {  	s21 =	rddreg [dreg:$0xc];
	s18 =	sadd.s32 s2, s18  }
0x8b: {  	[tilespmem:s21], [sflag:$0x1] =	stream.strided.gather [hbm4b:s18+s7], $0x2000, s8, s7, $0x38;
	[tilespmem:$0x10280] =	vst v63  }
0x8c: {  	_ =	swait.ge [sflag:s6], $0x2000  }
0x8d: {  	[sflag:s6] =	ssyncset.done $0x0  }
0x8e: {  	[sflag:s6] =	ssyncadd.s32 $0xFFFFE000  }
0x8f: {  	_ =	swait.ge [sflag:s6], $0x2000  }
0x90: {  	[sflag:s6] =	ssyncset.done $0x0  }
0x91: {  	[sflag:s6] =	ssyncadd.s32 $0xFFFFE000  }
0x92: {  	_ =	swait.ge [sflag:s6], $0x2000  }
0x93: {  	[sflag:s6] =	ssyncset.done $0x0  }
0x94: {  	[sflag:s6] =	ssyncadd.s32 $0xFFFFE000  }
0x95: {  	_ =	swait.ge [sflag:s6], $0x2000  }
0x96: {  	[sflag:s6] =	ssyncset.done $0x0  }
0x97: {  	[sflag:s6] =	ssyncadd.s32 $0xFFFFE000  }
0x98: {  	_ =	swait.ge [sflag:s6], $0x2000  }
0x99: {  	[sflag:s6] =	ssyncset.done $0x0  }
0x9a: {  	[sflag:s6] =	ssyncadd.s32 $0xFFFFE000  }
0x9b: {  	_ =	swait.ge [sflag:s6], $0x2000  }
0x9c: {  	[sflag:s6] =	ssyncset.done $0x0  }
0x9d: {  	[sflag:s6] =	ssyncadd.s32 $0xFFFFE000  }
0x9e: {  	s10 =	sand.u32 $0x7F, s10;
	_ =	swait.ge [sflag:s6], $0x2000  }
0x9f: {  	v61 =	vor.u32 s10, v0;
	[sflag:s6] =	ssyncset.done $0x0  }
0xa0: {  	[sflag:s6] =	ssyncadd.s32 $0xFFFFE000  }
0xa1: {  	_ =	swait.ge [sflag:s6], $0x2000  }
0xa2: {  	[sflag:s6] =	ssyncset.done $0x0  }
0xa3: {  	[sflag:s6] =	ssyncadd.s32 $0xFFFFE000  }
0xa4: {  	v32 =	vld.idx.msk [tilespmem:v61+s9+$0x0], $0xffff  }
0xa5: {  	v33 =	vor.u32 s10, v1;
	_ =	sdelay $0x3  }
0xa6: {  	[tilespmem:$0x10080] =	vst v32  }
0xa7: {  	v32 =	vld.idx.msk [tilespmem:v33+s9+$0x0], $0xffff  }
0xa8: {  	v62 =	vor.u32 s10, v2;
	_ =	sdelay $0x3  }
0xa9: {  	[tilespmem:$0x10090] =	vst v32  }
0xaa: {  	v32 =	vld.idx.msk [tilespmem:v62+s9+$0x0], $0xffff  }
0xab: {  	v63 =	vor.u32 s10, v3;
	_ =	sdelay $0x3  }
0xac: {  	[tilespmem:$0x100A0] =	vst v32  }
0xad: {  	s22 =	sand.u32 $0x7F, s11;
	v32 =	vld.idx.msk [tilespmem:v63+s9+$0x0], $0xffff  }
0xae: {  	v36 =	vor.u32 s22, v4;
	_ =	sdelay $0x3  }
0xaf: {  	[tilespmem:$0x100B0] =	vst v32  }
0xb0: {  	v32 =	vld.idx.msk [tilespmem:v36+s9+$0x0], $0xffff  }
0xb1: {  	v37 =	vor.u32 s22, v5;
	_ =	sdelay $0x3  }
0xb2: {  	[tilespmem:$0x100C0] =	vst v32  }
0xb3: {  	v32 =	vld.idx.msk [tilespmem:v37+s9+$0x0], $0xffff  }
0xb4: {  	v38 =	vor.u32 s22, v6;
	_ =	sdelay $0x3  }
0xb5: {  	[tilespmem:$0x100D0] =	vst v32  }
0xb6: {  	v32 =	vld.idx.msk [tilespmem:v38+s9+$0x0], $0xffff  }
0xb7: {  	v39 =	vor.u32 s22, v7;
	_ =	sdelay $0x3  }
0xb8: {  	[tilespmem:$0x100E0] =	vst v32  }
0xb9: {  	s23 =	sand.u32 $0x7F, s12;
	v32 =	vld.idx.msk [tilespmem:v39+s9+$0x0], $0xffff  }
0xba: {  	v40 =	vor.u32 s23, v8;
	_ =	sdelay $0x3  }
0xbb: {  	[tilespmem:$0x100F0] =	vst v32  }
0xbc: {  	v32 =	vld.idx.msk [tilespmem:v40+s9+$0x0], $0xffff  }
0xbd: {  	v41 =	vor.u32 s23, v9;
	_ =	sdelay $0x3  }
0xbe: {  	[tilespmem:$0x10100] =	vst v32  }
0xbf: {  	v32 =	vld.idx.msk [tilespmem:v41+s9+$0x0], $0xffff  }
0xc0: {  	v42 =	vor.u32 s23, v10;
	_ =	sdelay $0x3  }
0xc1: {  	[tilespmem:$0x10110] =	vst v32  }
0xc2: {  	v32 =	vld.idx.msk [tilespmem:v42+s9+$0x0], $0xffff  }
0xc3: {  	v43 =	vor.u32 s23, v11;
	_ =	sdelay $0x3  }
0xc4: {  	[tilespmem:$0x10120] =	vst v32  }
0xc5: {  	s24 =	sand.u32 $0x7F, s13;
	v32 =	vld.idx.msk [tilespmem:v43+s9+$0x0], $0xffff  }
0xc6: {  	v44 =	vor.u32 s24, v12;
	_ =	sdelay $0x3  }
0xc7: {  	[tilespmem:$0x10130] =	vst v32  }
0xc8: {  	v32 =	vld.idx.msk [tilespmem:v44+s9+$0x0], $0xffff  }
0xc9: {  	v45 =	vor.u32 s24, v13;
	_ =	sdelay $0x3  }
0xca: {  	[tilespmem:$0x10140] =	vst v32  }
0xcb: {  	v32 =	vld.idx.msk [tilespmem:v45+s9+$0x0], $0xffff  }
0xcc: {  	v46 =	vor.u32 s24, v14;
	_ =	sdelay $0x3  }
0xcd: {  	[tilespmem:$0x10150] =	vst v32  }
0xce: {  	v32 =	vld.idx.msk [tilespmem:v46+s9+$0x0], $0xffff  }
0xcf: {  	v47 =	vor.u32 s24, v15;
	_ =	sdelay $0x3  }
0xd0: {  	[tilespmem:$0x10160] =	vst v32  }
0xd1: {  	s25 =	sand.u32 $0x7F, s14;
	v32 =	vld.idx.msk [tilespmem:v47+s9+$0x0], $0xffff  }
0xd2: {  	v48 =	vor.u32 s25, v16;
	_ =	sdelay $0x3  }
0xd3: {  	[tilespmem:$0x10170] =	vst v32  }
0xd4: {  	v32 =	vld.idx.msk [tilespmem:v48+s9+$0x0], $0xffff  }
0xd5: {  	v49 =	vor.u32 s25, v17;
	_ =	sdelay $0x3  }
0xd6: {  	[tilespmem:$0x10180] =	vst v32  }
0xd7: {  	v32 =	vld.idx.msk [tilespmem:v49+s9+$0x0], $0xffff  }
0xd8: {  	v50 =	vor.u32 s25, v18;
	_ =	sdelay $0x3  }
0xd9: {  	[tilespmem:$0x10190] =	vst v32  }
0xda: {  	v32 =	vld.idx.msk [tilespmem:v50+s9+$0x0], $0xffff  }
0xdb: {  	v51 =	vor.u32 s25, v19;
	_ =	sdelay $0x3  }
0xdc: {  	[tilespmem:$0x101A0] =	vst v32  }
0xdd: {  	s26 =	sand.u32 $0x7F, s15;
	v32 =	vld.idx.msk [tilespmem:v51+s9+$0x0], $0xffff  }
0xde: {  	v52 =	vor.u32 s26, v20;
	_ =	sdelay $0x3  }
0xdf: {  	[tilespmem:$0x101B0] =	vst v32  }
0xe0: {  	v32 =	vld.idx.msk [tilespmem:v52+s9+$0x0], $0xffff  }
0xe1: {  	v53 =	vor.u32 s26, v21;
	_ =	sdelay $0x3  }
0xe2: {  	[tilespmem:$0x101C0] =	vst v32  }
0xe3: {  	v32 =	vld.idx.msk [tilespmem:v53+s9+$0x0], $0xffff  }
0xe4: {  	v54 =	vor.u32 s26, v22;
	_ =	sdelay $0x3  }
0xe5: {  	[tilespmem:$0x101D0] =	vst v32  }
0xe6: {  	v32 =	vld.idx.msk [tilespmem:v54+s9+$0x0], $0xffff  }
0xe7: {  	v55 =	vor.u32 s26, v23;
	_ =	sdelay $0x3  }
0xe8: {  	[tilespmem:$0x101E0] =	vst v32  }
0xe9: {  	s28 =	sand.u32 $0x7F, s16;
	v32 =	vld.idx.msk [tilespmem:v55+s9+$0x0], $0xffff  }
0xea: {  	v56 =	vor.u32 s28, v24;
	_ =	sdelay $0x3  }
0xeb: {  	[tilespmem:$0x101F0] =	vst v32  }
0xec: {  	v32 =	vld.idx.msk [tilespmem:v56+s9+$0x0], $0xffff  }
0xed: {  	v57 =	vor.u32 s28, v25;
	_ =	sdelay $0x3  }
0xee: {  	[tilespmem:$0x10200] =	vst v32  }
0xef: {  	v32 =	vld.idx.msk [tilespmem:v57+s9+$0x0], $0xffff  }
0xf0: {  	v58 =	vor.u32 s28, v26;
	_ =	sdelay $0x3  }
0xf1: {  	[tilespmem:$0x10210] =	vst v32  }
0xf2: {  	v32 =	vld.idx.msk [tilespmem:v58+s9+$0x0], $0xffff  }
0xf3: {  	v59 =	vor.u32 s28, v27;
	_ =	sdelay $0x3  }
0xf4: {  	[tilespmem:$0x10220] =	vst v32  }
0xf5: {  	s29 =	sand.u32 $0x7F, s31;
	v32 =	vld.idx.msk [tilespmem:v59+s9+$0x0], $0xffff  }
0xf6: {  	v60 =	vor.u32 s29, v28;
	_ =	sdelay $0x3  }
0xf7: {  	[tilespmem:$0x10230] =	vst v32  }
0xf8: {  	v32 =	vld.idx.msk [tilespmem:v60+s9+$0x0], $0xffff  }
0xf9: {  	v61 =	vor.u32 s29, v29;
	_ =	sdelay $0x3  }
0xfa: {  	[tilespmem:$0x10240] =	vst v32  }
0xfb: {  	v32 =	vld.idx.msk [tilespmem:v61+s9+$0x0], $0xffff  }
0xfc: {  	v62 =	vor.u32 s29, v30;
	_ =	sdelay $0x3  }
0xfd: {  	[tilespmem:$0x10250] =	vst v32  }
0xfe: {  	v32 =	vld.idx.msk [tilespmem:v62+s9+$0x0], $0xffff  }
0xff: {  	v63 =	vor.u32 s29, v31;
	_ =	sdelay $0x3  }
0x100: {  	[tilespmem:$0x10260] =	vst v32  }
0x101: {  	v32 =	vld.idx.msk [tilespmem:v63+s9+$0x0], $0xffff;
	_ =	sdelay $0x3  }
0x102: {  	p0 =	sne.s32 s4, $0x1;
	s30 =	rddreg [dreg:$0x4]  }
.Ltmp1:
0x103: {  	s31 =	rddreg [dreg:$0xd];
	[tilespmem:$0x10270] =	vst v32;
	(pc) =	sbr.rel @p0 .LBB2_2-.Ltmp1, $4  }
0x104: {  	[hbm4b:s30+s3] =	stream.linear.scatter [tilespmem:s31], [sflag:$0x2], $0x200, $0x38;
	[tilespmem:$0x10280] =	vst v63  }
0x105: {  	_ =	swait.ge [sflag:s5], $0x200  }
0x106: {  	[sflag:s5] =	ssyncset.done $0x0  }
0x107: {  	s4 =	sadd.s32 $0xFFFFFFFF, s4;
	[sflag:s5] =	ssyncadd.s32 $0xFFFFFE00  }
.LBB2_3:
0x108: {  	_ =	sfence.sel $0x180000  }
0x109: {  	[bflag:$0x0] =	sbarrier.arrive $0xFFFF  }
0x10a: {  	p0 =	sne.s32 s0, $0x0;
	_ =	strace $0x90000047  }
0x10b: {  	s0 =	sadd.s32 @!p0 $0x100000, s1;
	[bflag:$0x2] =	sbarrier.arrive $0xFFFF  }
0x10c: {  	[sflag:s0] =	ssyncadd.tile.s32 @!p0 $0x1;
	_ =	shalt  }
.Lfunc_end2:
_tile_overlayer_lowered:
.L_overlay_start_2:
0x10d: {  	(tag) =	ssettag $0x2  }
0x10e: {  	s0 =	rddreg [dreg:$0x0];
	s2 =	stileid.u32  }
0x10f: {  	s1 =	rddreg [dreg:$0x1];
	p0 =	sne.s32 s2, $0x0  }
0x110: {  	s3 =	rddreg [dreg:$0x2];
	[bflag:$0x3] =	sbarrier.arrive $0xFFFF;
	s2 =	simm.s32 @!p0 $0x1C02  }
0x111: {  	[timem:s3], [sflag:s2] =	dma.local @!p0 [hbm:s0], s1  }
0x112: {  	s0 =	simm.s32 @!p0 $0x2  }
0x113: {  	_ =	swait.ge @!p0 [sflag:s0], s1  }
0x114: {  	s1 =	ssub.s32 @!p0 $0x0, s1;
	[sflag:s0] =	ssyncset.done @!p0 $0x0  }
0x115: {  	[sflag:s0] =	ssyncadd.s32 @!p0 s1  }
0x116: {  	[bflag:$0x3] =	sbarrier.arrive $0xFFFF  }
0x117: {  	_ =	shalt  }

</sc_bundles>
